<compile_context>
chip_gen: v7x
topology: tpu7x:2x2x1
jax: 0.10.2.dev20260603
libtpu: 0.0.44.dev20260713+nightly
codegen_flags: <defaults>
</compile_context>

<pallas_src>
import functools

import jax
import jax.numpy as jnp
from jax import lax
from jax.experimental import pallas as pl
from jax.experimental.pallas import tpu as pltpu
from jax.experimental.pallas import tpu_sc as plsc

_NPAD = 10112
_MP = 40960
_NW = 32
_QPW = _MP // _NW
_CH = 80
_NCH = _QPW // _CH
_BQ = 400


def _ln(x, g, b):
    mu = jnp.mean(x, axis=-1, keepdims=True)
    var = jnp.mean((x - mu) ** 2, axis=-1, keepdims=True)
    return (x - mu) / jnp.sqrt(var + 1e-5) * g + b


def _lnmm_body(x_ref, g_ref, b_ref, w_ref, bias_ref, o_ref):
    xn = _ln(x_ref[...], g_ref[...], b_ref[...])
    o_ref[...] = (
        jnp.dot(xn, w_ref[...], preferred_element_type=jnp.float32)
        + bias_ref[...]
    )


def _ln_matmul(x, g, b, w, bias, block_rows):
    rows, cin = x.shape
    cout = w.shape[1]
    return pl.pallas_call(
        _lnmm_body,
        grid=(rows // block_rows,),
        in_specs=[
            pl.BlockSpec((block_rows, cin), lambda i: (i, 0)),
            pl.BlockSpec((cin,), lambda i: (0,)),
            pl.BlockSpec((cin,), lambda i: (0,)),
            pl.BlockSpec((cin, cout), lambda i: (0, 0)),
            pl.BlockSpec((cout,), lambda i: (0,)),
        ],
        out_specs=pl.BlockSpec((block_rows, cout), lambda i: (i, 0)),
        out_shape=jax.ShapeDtypeStruct((rows, cout), jnp.float32),
    )(x, g, b, w, bias)


def _knn_body(x_ref, g_ref, b_ref, w_ref, bias_ref, q_ref, ct_ref,
              b1_ref, i0_ref, i1_ref, i2_ref, w0_ref, w1_ref, w2_ref,
              d2_ref):
    xn = _ln(x_ref[...], g_ref[...], b_ref[...])
    b1_ref[...] = (
        jnp.dot(xn, w_ref[...], preferred_element_type=jnp.float32)
        + bias_ref[...]
    )

    q = q_ref[...]
    qx, qy, qz = q[:, 0:1], q[:, 1:2], q[:, 2:3]
    cx = ct_ref[0:1, :]
    cy = ct_ref[1:2, :]
    cz = ct_ref[2:3, :]
    dx = qx - cx
    dy = qy - cy
    dz = qz - cz
    d2_ref[...] = dx * dx + dy * dy + dz * dz
    colsf = lax.broadcasted_iota(jnp.int32, (_BQ, _NPAD), 1).astype(jnp.float32)

    picks = []
    for k in range(3):
        d2 = d2_ref[...]
        m = jnp.min(d2, axis=1, keepdims=True)
        ik = jnp.min(jnp.where(d2 == m, colsf, jnp.float32(1e9)),
                     axis=1, keepdims=True)
        if k < 2:
            d2_ref[...] = jnp.where(colsf == ik, jnp.float32(jnp.inf), d2)
        picks.append((m, ik))

    ws = [1.0 / (jnp.sqrt(jnp.maximum(m, 1e-12)) + 1e-8) for m, _ in picks]
    s = ws[0] + ws[1] + ws[2]
    i0_ref[...] = picks[0][1].astype(jnp.int32)
    i1_ref[...] = picks[1][1].astype(jnp.int32)
    i2_ref[...] = picks[2][1].astype(jnp.int32)
    w0_ref[...] = ws[0] / s
    w1_ref[...] = ws[1] / s
    w2_ref[...] = ws[2] / s


def _knn_branch1(skip_feats, ln1_g, ln1_b, W1, b1, q, ct):
    m = q.shape[0]
    cout = W1.shape[1]
    out_shape = [jax.ShapeDtypeStruct((m, cout), jnp.float32)] + \
        [jax.ShapeDtypeStruct((m, 1), jnp.int32)] * 3 + \
        [jax.ShapeDtypeStruct((m, 1), jnp.float32)] * 3
    o_spec = pl.BlockSpec((_BQ, 1), lambda i: (i, 0))
    return pl.pallas_call(
        _knn_body,
        grid=(m // _BQ,),
        in_specs=[
            pl.BlockSpec((_BQ, cout), lambda i: (i, 0)),
            pl.BlockSpec((cout,), lambda i: (0,)),
            pl.BlockSpec((cout,), lambda i: (0,)),
            pl.BlockSpec((cout, cout), lambda i: (0, 0)),
            pl.BlockSpec((cout,), lambda i: (0,)),
            pl.BlockSpec((_BQ, 3), lambda i: (i, 0)),
            pl.BlockSpec((3, _NPAD), lambda i: (0, 0)),
        ],
        out_specs=[pl.BlockSpec((_BQ, cout), lambda i: (i, 0))] + [o_spec] * 6,
        out_shape=out_shape,
        scratch_shapes=[pltpu.VMEM((_BQ, _NPAD), jnp.float32)],
    )(skip_feats, ln1_g, ln1_b, W1, b1, q, ct)


def _sc_gather_combine(feats2, b1, i0, i1, i2, w0, w1, w2, m_valid):
    cout = feats2.shape[1]
    mesh = plsc.VectorSubcoreMesh(core_axis_name="c", subcore_axis_name="s")

    @functools.partial(
        pl.kernel,
        out_type=jax.ShapeDtypeStruct((_MP, cout), jnp.float32),
        mesh=mesh,
        compiler_params=pltpu.CompilerParams(needs_layout_passes=False),
        scratch_types=[
            pltpu.VMEM((_QPW,), jnp.int32),
            pltpu.VMEM((_QPW,), jnp.int32),
            pltpu.VMEM((_QPW,), jnp.int32),
            pltpu.VMEM((_QPW,), jnp.float32),
            pltpu.VMEM((_QPW,), jnp.float32),
            pltpu.VMEM((_QPW,), jnp.float32),
            pltpu.VMEM((_CH, cout), jnp.float32),
            pltpu.VMEM((_CH, cout), jnp.float32),
            pltpu.VMEM((_CH, cout), jnp.float32),
            pltpu.VMEM((_CH, cout), jnp.float32),
            pltpu.VMEM((_CH, cout), jnp.float32),
            pltpu.SemaphoreType.DMA,
            pltpu.SemaphoreType.DMA,
            pltpu.SemaphoreType.DMA,
        ],
    )
    def body(f2_hbm, b1_hbm, i0_hbm, i1_hbm, i2_hbm, w0_hbm, w1_hbm, w2_hbm,
             out_hbm, i0_v, i1_v, i2_v, w0_v, w1_v, w2_v,
             r0_v, r1_v, r2_v, b1_v, o_v, s0, s1, s2):
        cid = lax.axis_index("c")
        sid = lax.axis_index("s")
        wid = sid * 2 + cid
        qb = pl.multiple_of(wid * _QPW, 8)
        pltpu.sync_copy(i0_hbm.at[pl.ds(qb, _QPW)], i0_v)
        pltpu.sync_copy(i1_hbm.at[pl.ds(qb, _QPW)], i1_v)
        pltpu.sync_copy(i2_hbm.at[pl.ds(qb, _QPW)], i2_v)
        pltpu.sync_copy(w0_hbm.at[pl.ds(qb, _QPW)], w0_v)
        pltpu.sync_copy(w1_hbm.at[pl.ds(qb, _QPW)], w1_v)
        pltpu.sync_copy(w2_hbm.at[pl.ds(qb, _QPW)], w2_v)

        def chunk(g, carry):
            off = pl.multiple_of(g * _CH, 8)

            @pl.when(qb + off < m_valid)
            def _():
                cp0 = pltpu.async_copy(
                    f2_hbm.at[i0_v.at[pl.ds(off, _CH)]], r0_v, s0)
                cp1 = pltpu.async_copy(
                    f2_hbm.at[i1_v.at[pl.ds(off, _CH)]], r1_v, s1)
                cp2 = pltpu.async_copy(
                    f2_hbm.at[i2_v.at[pl.ds(off, _CH)]], r2_v, s2)
                pltpu.sync_copy(b1_hbm.at[pl.ds(qb + off, _CH)], b1_v)
                cp0.wait()
                cp1.wait()
                cp2.wait()

                def qloop(c, carry2):
                    oidx = jnp.full((16,), off + c, jnp.int32)
                    a0 = plsc.load_gather(w0_v, [oidx])
                    a1 = plsc.load_gather(w1_v, [oidx])
                    a2 = plsc.load_gather(w2_v, [oidx])
                    for v in range(cout // 16):
                        sl = pl.ds(v * 16, 16)
                        o_v[c, sl] = (b1_v[c, sl] + a0 * r0_v[c, sl]
                                      + a1 * r1_v[c, sl] + a2 * r2_v[c, sl])
                    return carry2

                lax.fori_loop(0, _CH, qloop, 0)
                pltpu.sync_copy(o_v, out_hbm.at[pl.ds(qb + off, _CH)])

            return carry

        lax.fori_loop(0, _NCH, chunk, 0)

    return body(feats2, b1, i0, i1, i2, w0, w1, w2)


def kernel(feats, coords, offset, skip_feats, skip_coords, skip_offset,
           ln1_g, ln1_b, W1, b1, ln2_g, ln2_b, W2, b2):
    m = skip_coords.shape[0]
    n = coords.shape[0]

    feats2 = _ln_matmul(feats, ln2_g, ln2_b, W2, b2, block_rows=2000)

    ct = jnp.pad(coords.T, ((0, 0), (0, _NPAD - n)), constant_values=100.0)
    branch1, i0, i1, i2, w0, w1, w2 = _knn_branch1(
        skip_feats, ln1_g, ln1_b, W1, b1, skip_coords, ct)

    def flat_pad(x):
        return jnp.pad(x.reshape(-1), (0, _MP - m))

    out_full = _sc_gather_combine(
        feats2, branch1,
        flat_pad(i0), flat_pad(i1), flat_pad(i2),
        flat_pad(w0), flat_pad(w1), flat_pad(w2), m)
    return (out_full[:m], skip_coords, skip_offset)

# --- scband reference (transcript-rebuilt; emitter-appended) ---
"""Pipeline reference for scband-transition-up-27023934226490 (READ-ONLY COPY).

The authoritative reference and input builder live on the scoring server;
editing this copy changes nothing except your own understanding.
"""

import jax, jax.numpy as jnp
import numpy as np

IN_CH = 256
OUT_CH = 128
N = 10000
M = 40000
K = 3
CHUNK = 2000


def _layernorm(x, g, b, eps=1e-5):
    mu = jnp.mean(x, axis=-1, keepdims=True)
    var = jnp.var(x, axis=-1, keepdims=True)
    return (x - mu) / jnp.sqrt(var + eps) * g + b


def _interpolate(coords, skip_coords, feats2):
    # pointops.interpolation: for each fine point, find K=3 nearest coarse points,
    # weight features by normalized inverse distance. Chunked to bound memory.
    nq = skip_coords.shape[0]
    nc = nq // CHUNK
    chunks = skip_coords.reshape(nc, CHUNK, 3)

    def chunk_fn(q):
        d2 = jnp.sum((q[:, None, :] - coords[None, :, :]) ** 2, axis=-1)
        neg_d2, idx = jax.lax.top_k(-d2, K)
        dist = jnp.sqrt(jnp.maximum(-neg_d2, 1e-12))
        w = 1.0 / (dist + 1e-8)
        w = w / jnp.sum(w, axis=1, keepdims=True)
        gathered = jnp.take(feats2, idx, axis=0)  # [CHUNK, K, C]
        return jnp.sum(gathered * w[..., None], axis=1)

    out = jax.lax.map(chunk_fn, chunks)
    return out.reshape(nq, feats2.shape[1])


def setup_inputs(seed: int = 0) -> dict:
    key = jax.random.key(seed)
    ks = jax.random.split(key, 8)
    feats = jax.random.normal(ks[0], (N, IN_CH), dtype=jnp.float32)
    coords = jax.random.uniform(ks[1], (N, 3), dtype=jnp.float32)
    skip_feats = jax.random.normal(ks[2], (M, OUT_CH), dtype=jnp.float32)
    skip_coords = jax.random.uniform(ks[3], (M, 3), dtype=jnp.float32)
    offset = jnp.array([N], dtype=jnp.int32)
    skip_offset = jnp.array([M], dtype=jnp.int32)
    ln1_g = jnp.ones((OUT_CH,), dtype=jnp.float32)
    ln1_b = jnp.zeros((OUT_CH,), dtype=jnp.float32)
    W1 = jax.random.normal(ks[4], (OUT_CH, OUT_CH), dtype=jnp.float32) * 0.02
    b1 = jnp.zeros((OUT_CH,), dtype=jnp.float32)
    ln2_g = jnp.ones((IN_CH,), dtype=jnp.float32)
    ln2_b = jnp.zeros((IN_CH,), dtype=jnp.float32)
    W2 = jax.random.normal(ks[5], (IN_CH, OUT_CH), dtype=jnp.float32) * 0.02
    b2 = jnp.zeros((OUT_CH,), dtype=jnp.float32)
    return {"feats": feats, "coords": coords, "offset": offset,
            "skip_feats": skip_feats, "skip_coords": skip_coords, "skip_offset": skip_offset,
            "ln1_g": ln1_g, "ln1_b": ln1_b, "W1": W1, "b1": b1,
            "ln2_g": ln2_g, "ln2_b": ln2_b, "W2": W2, "b2": b2}


def reference(feats, coords, offset, skip_feats, skip_coords, skip_offset,
              ln1_g, ln1_b, W1, b1, ln2_g, ln2_b, W2, b2):
    # linear1(skip_feats)
    branch1 = _layernorm(skip_feats, ln1_g, ln1_b) @ W1 + b1
    # linear2(feats) then kNN inverse-distance interpolation onto fine points
    feats2 = _layernorm(feats, ln2_g, ln2_b) @ W2 + b2
    interp = _interpolate(coords, skip_coords, feats2)
    out = branch1 + interp
    return (out, skip_coords, skip_offset)

if __name__ == "__main__":
    import jax
    _d = setup_inputs()
    print(jax.jit(kernel)(*tuple(_d.values())))

</pallas_src>

<mosaic_0001>
#map = affine_map<(d0, d1) -> (0, 0)>
#map1 = affine_map<(d0, d1) -> (0)>
module attributes {stable_mosaic.version = 14 : i64} {
  func.func @body(%arg0: i32, %arg1: i32, %arg2: memref<10000x128xf32, #tpu.memory_space<hbm>>, %arg3: memref<40000x128xf32, #tpu.memory_space<hbm>>, %arg4: memref<40960xi32, #tpu.memory_space<hbm>>, %arg5: memref<40960xi32, #tpu.memory_space<hbm>>, %arg6: memref<40960xi32, #tpu.memory_space<hbm>>, %arg7: memref<40960xf32, #tpu.memory_space<hbm>>, %arg8: memref<40960xf32, #tpu.memory_space<hbm>>, %arg9: memref<40960xf32, #tpu.memory_space<hbm>>, %arg10: memref<40960x128xf32, #tpu.memory_space<hbm>>, %arg11: memref<1280xi32, #tpu.memory_space<vmem>>, %arg12: memref<1280xi32, #tpu.memory_space<vmem>>, %arg13: memref<1280xi32, #tpu.memory_space<vmem>>, %arg14: memref<1280xf32, #tpu.memory_space<vmem>>, %arg15: memref<1280xf32, #tpu.memory_space<vmem>>, %arg16: memref<1280xf32, #tpu.memory_space<vmem>>, %arg17: memref<80x128xf32, #tpu.memory_space<vmem>>, %arg18: memref<80x128xf32, #tpu.memory_space<vmem>>, %arg19: memref<80x128xf32, #tpu.memory_space<vmem>>, %arg20: memref<80x128xf32, #tpu.memory_space<vmem>>, %arg21: memref<80x128xf32, #tpu.memory_space<vmem>>, %arg22: memref<!tpu.dma_semaphore, #tpu.memory_space<semaphore_mem>>, %arg23: memref<!tpu.dma_semaphore, #tpu.memory_space<semaphore_mem>>, %arg24: memref<!tpu.dma_semaphore, #tpu.memory_space<semaphore_mem>>) attributes {dimension_semantics = [#tpu.dimension_semantics<core_parallel>, #tpu.dimension_semantics<subcore_parallel>], iteration_bounds = array<i64: 2, 16>, scalar_prefetch = 0 : i64, scratch_operands = 14 : i64, tpu.core_type = #tpu.core_type<sc_vector_subcore>, window_params = [{transform_indices = #map}, {transform_indices = #map}, {transform_indices = #map1}, {transform_indices = #map1}, {transform_indices = #map1}, {transform_indices = #map1}, {transform_indices = #map1}, {transform_indices = #map1}, {transform_indices = #map}]} {
    %mul3A = arith.constant 2 : i32
    %mul3A_0 = arith.muli %arg1, %mul3A : i32
    %add3A = arith.addi %mul3A_0, %arg0 : i32
    %mul3A_1 = arith.constant 1280 : i32
    %mul3A_2 = arith.muli %add3A, %mul3A_1 : i32
    %multiple_of3A = tpu.assume_multiple %mul3A_2, 8 : i32
    "tpu.region"() ({
      %run_scoped3A = tpu.sem_alloc : memref<!tpu.dma_semaphore, #tpu.memory_space<semaphore_mem>>
      %dma_start3A = tpu.memref_slice %arg4[%multiple_of3A] : memref<40960xi32, #tpu.memory_space<hbm>> -> memref<1280xi32, #tpu.memory_space<hbm>>
      %dma_start3A_8 = tpu.memref_slice %arg4[%multiple_of3A] : memref<40960xi32, #tpu.memory_space<hbm>> -> memref<1280xi32, #tpu.memory_space<hbm>>
      tpu.enqueue_dma source(%dma_start3A_8 : memref<1280xi32, #tpu.memory_space<hbm>>) target(%arg11 : memref<1280xi32, #tpu.memory_space<vmem>>) target_semaphore(%run_scoped3A : memref<!tpu.dma_semaphore, #tpu.memory_space<semaphore_mem>>)
      %dma_wait3A = tpu.memref_slice %arg4[%multiple_of3A] : memref<40960xi32, #tpu.memory_space<hbm>> -> memref<1280xi32, #tpu.memory_space<hbm>>
      %dma_wait3A_9 = tpu.memref_slice %arg4[%multiple_of3A] : memref<40960xi32, #tpu.memory_space<hbm>> -> memref<1280xi32, #tpu.memory_space<hbm>>
      tpu.wait_dma2 semaphore(%run_scoped3A : memref<!tpu.dma_semaphore, #tpu.memory_space<semaphore_mem>>) src(%dma_wait3A_9 : memref<1280xi32, #tpu.memory_space<hbm>>) dst(%arg11 : memref<1280xi32, #tpu.memory_space<vmem>>)
      tpu.yield
    }) : () -> ()
    "tpu.region"() ({
      %run_scoped3A = tpu.sem_alloc : memref<!tpu.dma_semaphore, #tpu.memory_space<semaphore_mem>>
      %dma_start3A = tpu.memref_slice %arg5[%multiple_of3A] : memref<40960xi32, #tpu.memory_space<hbm>> -> memref<1280xi32, #tpu.memory_space<hbm>>
      %dma_start3A_8 = tpu.memref_slice %arg5[%multiple_of3A] : memref<40960xi32, #tpu.memory_space<hbm>> -> memref<1280xi32, #tpu.memory_space<hbm>>
      tpu.enqueue_dma source(%dma_start3A_8 : memref<1280xi32, #tpu.memory_space<hbm>>) target(%arg12 : memref<1280xi32, #tpu.memory_space<vmem>>) target_semaphore(%run_scoped3A : memref<!tpu.dma_semaphore, #tpu.memory_space<semaphore_mem>>)
      %dma_wait3A = tpu.memref_slice %arg5[%multiple_of3A] : memref<40960xi32, #tpu.memory_space<hbm>> -> memref<1280xi32, #tpu.memory_space<hbm>>
      %dma_wait3A_9 = tpu.memref_slice %arg5[%multiple_of3A] : memref<40960xi32, #tpu.memory_space<hbm>> -> memref<1280xi32, #tpu.memory_space<hbm>>
      tpu.wait_dma2 semaphore(%run_scoped3A : memref<!tpu.dma_semaphore, #tpu.memory_space<semaphore_mem>>) src(%dma_wait3A_9 : memref<1280xi32, #tpu.memory_space<hbm>>) dst(%arg12 : memref<1280xi32, #tpu.memory_space<vmem>>)
      tpu.yield
    }) : () -> ()
    "tpu.region"() ({
      %run_scoped3A = tpu.sem_alloc : memref<!tpu.dma_semaphore, #tpu.memory_space<semaphore_mem>>
      %dma_start3A = tpu.memref_slice %arg6[%multiple_of3A] : memref<40960xi32, #tpu.memory_space<hbm>> -> memref<1280xi32, #tpu.memory_space<hbm>>
      %dma_start3A_8 = tpu.memref_slice %arg6[%multiple_of3A] : memref<40960xi32, #tpu.memory_space<hbm>> -> memref<1280xi32, #tpu.memory_space<hbm>>
      tpu.enqueue_dma source(%dma_start3A_8 : memref<1280xi32, #tpu.memory_space<hbm>>) target(%arg13 : memref<1280xi32, #tpu.memory_space<vmem>>) target_semaphore(%run_scoped3A : memref<!tpu.dma_semaphore, #tpu.memory_space<semaphore_mem>>)
      %dma_wait3A = tpu.memref_slice %arg6[%multiple_of3A] : memref<40960xi32, #tpu.memory_space<hbm>> -> memref<1280xi32, #tpu.memory_space<hbm>>
      %dma_wait3A_9 = tpu.memref_slice %arg6[%multiple_of3A] : memref<40960xi32, #tpu.memory_space<hbm>> -> memref<1280xi32, #tpu.memory_space<hbm>>
      tpu.wait_dma2 semaphore(%run_scoped3A : memref<!tpu.dma_semaphore, #tpu.memory_space<semaphore_mem>>) src(%dma_wait3A_9 : memref<1280xi32, #tpu.memory_space<hbm>>) dst(%arg13 : memref<1280xi32, #tpu.memory_space<vmem>>)
      tpu.yield
    }) : () -> ()
    "tpu.region"() ({
      %run_scoped3A = tpu.sem_alloc : memref<!tpu.dma_semaphore, #tpu.memory_space<semaphore_mem>>
      %dma_start3A = tpu.memref_slice %arg7[%multiple_of3A] : memref<40960xf32, #tpu.memory_space<hbm>> -> memref<1280xf32, #tpu.memory_space<hbm>>
      %dma_start3A_8 = tpu.memref_slice %arg7[%multiple_of3A] : memref<40960xf32, #tpu.memory_space<hbm>> -> memref<1280xf32, #tpu.memory_space<hbm>>
      tpu.enqueue_dma source(%dma_start3A_8 : memref<1280xf32, #tpu.memory_space<hbm>>) target(%arg14 : memref<1280xf32, #tpu.memory_space<vmem>>) target_semaphore(%run_scoped3A : memref<!tpu.dma_semaphore, #tpu.memory_space<semaphore_mem>>)
      %dma_wait3A = tpu.memref_slice %arg7[%multiple_of3A] : memref<40960xf32, #tpu.memory_space<hbm>> -> memref<1280xf32, #tpu.memory_space<hbm>>
      %dma_wait3A_9 = tpu.memref_slice %arg7[%multiple_of3A] : memref<40960xf32, #tpu.memory_space<hbm>> -> memref<1280xf32, #tpu.memory_space<hbm>>
      tpu.wait_dma2 semaphore(%run_scoped3A : memref<!tpu.dma_semaphore, #tpu.memory_space<semaphore_mem>>) src(%dma_wait3A_9 : memref<1280xf32, #tpu.memory_space<hbm>>) dst(%arg14 : memref<1280xf32, #tpu.memory_space<vmem>>)
      tpu.yield
    }) : () -> ()
    "tpu.region"() ({
      %run_scoped3A = tpu.sem_alloc : memref<!tpu.dma_semaphore, #tpu.memory_space<semaphore_mem>>
      %dma_start3A = tpu.memref_slice %arg8[%multiple_of3A] : memref<40960xf32, #tpu.memory_space<hbm>> -> memref<1280xf32, #tpu.memory_space<hbm>>
      %dma_start3A_8 = tpu.memref_slice %arg8[%multiple_of3A] : memref<40960xf32, #tpu.memory_space<hbm>> -> memref<1280xf32, #tpu.memory_space<hbm>>
      tpu.enqueue_dma source(%dma_start3A_8 : memref<1280xf32, #tpu.memory_space<hbm>>) target(%arg15 : memref<1280xf32, #tpu.memory_space<vmem>>) target_semaphore(%run_scoped3A : memref<!tpu.dma_semaphore, #tpu.memory_space<semaphore_mem>>)
      %dma_wait3A = tpu.memref_slice %arg8[%multiple_of3A] : memref<40960xf32, #tpu.memory_space<hbm>> -> memref<1280xf32, #tpu.memory_space<hbm>>
      %dma_wait3A_9 = tpu.memref_slice %arg8[%multiple_of3A] : memref<40960xf32, #tpu.memory_space<hbm>> -> memref<1280xf32, #tpu.memory_space<hbm>>
      tpu.wait_dma2 semaphore(%run_scoped3A : memref<!tpu.dma_semaphore, #tpu.memory_space<semaphore_mem>>) src(%dma_wait3A_9 : memref<1280xf32, #tpu.memory_space<hbm>>) dst(%arg15 : memref<1280xf32, #tpu.memory_space<vmem>>)
      tpu.yield
    }) : () -> ()
    "tpu.region"() ({
      %run_scoped3A = tpu.sem_alloc : memref<!tpu.dma_semaphore, #tpu.memory_space<semaphore_mem>>
      %dma_start3A = tpu.memref_slice %arg9[%multiple_of3A] : memref<40960xf32, #tpu.memory_space<hbm>> -> memref<1280xf32, #tpu.memory_space<hbm>>
      %dma_start3A_8 = tpu.memref_slice %arg9[%multiple_of3A] : memref<40960xf32, #tpu.memory_space<hbm>> -> memref<1280xf32, #tpu.memory_space<hbm>>
      tpu.enqueue_dma source(%dma_start3A_8 : memref<1280xf32, #tpu.memory_space<hbm>>) target(%arg16 : memref<1280xf32, #tpu.memory_space<vmem>>) target_semaphore(%run_scoped3A : memref<!tpu.dma_semaphore, #tpu.memory_space<semaphore_mem>>)
      %dma_wait3A = tpu.memref_slice %arg9[%multiple_of3A] : memref<40960xf32, #tpu.memory_space<hbm>> -> memref<1280xf32, #tpu.memory_space<hbm>>
      %dma_wait3A_9 = tpu.memref_slice %arg9[%multiple_of3A] : memref<40960xf32, #tpu.memory_space<hbm>> -> memref<1280xf32, #tpu.memory_space<hbm>>
      tpu.wait_dma2 semaphore(%run_scoped3A : memref<!tpu.dma_semaphore, #tpu.memory_space<semaphore_mem>>) src(%dma_wait3A_9 : memref<1280xf32, #tpu.memory_space<hbm>>) dst(%arg16 : memref<1280xf32, #tpu.memory_space<vmem>>)
      tpu.yield
    }) : () -> ()
    %scan3A = arith.constant 0 : i32
    %scan3A_3 = arith.constant 0 : i32
    %scan3A_4 = arith.constant 16 : i32
    %scan3A_5 = arith.addi %scan3A_3, %scan3A_4 : i32
    %scan3A_6 = arith.constant 1 : i32
    scf.for %scan3A_8 = %scan3A_3 to %scan3A_5 step %scan3A_6  : i32 {
      %mul3A_9 = arith.constant 80 : i32
      %mul3A_10 = arith.muli %scan3A_8, %mul3A_9 : i32
      %multiple_of3A_11 = tpu.assume_multiple %mul3A_10, 8 : i32
      %add3A_12 = arith.addi %multiple_of3A, %multiple_of3A_11 : i32
      %lt3A = arith.constant 40000 : i32
      %lt3A_13 = arith.cmpi slt, %add3A_12, %lt3A : i32
      %convert_element_type3A = arith.extui %lt3A_13 : i1 to i32
      %cond3A = arith.constant 0 : i32
      %cond3A_14 = arith.cmpi ne, %convert_element_type3A, %cond3A : i32
      scf.if %cond3A_14 {
        %dma_start3A = tpu.memref_slice %arg11[%multiple_of3A_11] : memref<1280xi32, #tpu.memory_space<vmem>> -> memref<80xi32, #tpu.memory_space<vmem>>
        %dma_start3A_15 = arith.constant 0 : i32
        %dma_start3A_16 = arith.constant 0 : i32
        %dma_start3A_17 = tpu.memref_slice %arg2[%dma_start3A_15, %dma_start3A_16] : memref<10000x128xf32, #tpu.memory_space<hbm>> -> memref<10000x128xf32, #tpu.memory_space<hbm>>
        tpu.enqueue_indirect_dma source(%dma_start3A_17 : memref<10000x128xf32, #tpu.memory_space<hbm>>) target(%arg17 : memref<80x128xf32, #tpu.memory_space<vmem>>) offsets(%dma_start3A : memref<80xi32, #tpu.memory_space<vmem>>) semaphore(%arg22 : memref<!tpu.dma_semaphore, #tpu.memory_space<semaphore_mem>>)
        %dma_start3A_18 = tpu.memref_slice %arg12[%multiple_of3A_11] : memref<1280xi32, #tpu.memory_space<vmem>> -> memref<80xi32, #tpu.memory_space<vmem>>
        %dma_start3A_19 = arith.constant 0 : i32
        %dma_start3A_20 = arith.constant 0 : i32
        %dma_start3A_21 = tpu.memref_slice %arg2[%dma_start3A_19, %dma_start3A_20] : memref<10000x128xf32, #tpu.memory_space<hbm>> -> memref<10000x128xf32, #tpu.memory_space<hbm>>
        tpu.enqueue_indirect_dma source(%dma_start3A_21 : memref<10000x128xf32, #tpu.memory_space<hbm>>) target(%arg18 : memref<80x128xf32, #tpu.memory_space<vmem>>) offsets(%dma_start3A_18 : memref<80xi32, #tpu.memory_space<vmem>>) semaphore(%arg23 : memref<!tpu.dma_semaphore, #tpu.memory_space<semaphore_mem>>)
        %dma_start3A_22 = tpu.memref_slice %arg13[%multiple_of3A_11] : memref<1280xi32, #tpu.memory_space<vmem>> -> memref<80xi32, #tpu.memory_space<vmem>>
        %dma_start3A_23 = arith.constant 0 : i32
        %dma_start3A_24 = arith.constant 0 : i32
        %dma_start3A_25 = tpu.memref_slice %arg2[%dma_start3A_23, %dma_start3A_24] : memref<10000x128xf32, #tpu.memory_space<hbm>> -> memref<10000x128xf32, #tpu.memory_space<hbm>>
        tpu.enqueue_indirect_dma source(%dma_start3A_25 : memref<10000x128xf32, #tpu.memory_space<hbm>>) target(%arg19 : memref<80x128xf32, #tpu.memory_space<vmem>>) offsets(%dma_start3A_22 : memref<80xi32, #tpu.memory_space<vmem>>) semaphore(%arg24 : memref<!tpu.dma_semaphore, #tpu.memory_space<semaphore_mem>>)
        %add3A_26 = arith.addi %multiple_of3A, %multiple_of3A_11 : i32
        "tpu.region"() ({
          %run_scoped3A = tpu.sem_alloc : memref<!tpu.dma_semaphore, #tpu.memory_space<semaphore_mem>>
          %dma_start3A_45 = arith.constant 0 : i32
          %dma_start3A_46 = tpu.memref_slice %arg3[%add3A_26, %dma_start3A_45] : memref<40000x128xf32, #tpu.memory_space<hbm>> -> memref<80x128xf32, #tpu.memory_space<hbm>>
          %dma_start3A_47 = arith.constant 0 : i32
          %dma_start3A_48 = tpu.memref_slice %arg3[%add3A_26, %dma_start3A_47] : memref<40000x128xf32, #tpu.memory_space<hbm>> -> memref<80x128xf32, #tpu.memory_space<hbm>>
          tpu.enqueue_dma source(%dma_start3A_48 : memref<80x128xf32, #tpu.memory_space<hbm>>) target(%arg20 : memref<80x128xf32, #tpu.memory_space<vmem>>) target_semaphore(%run_scoped3A : memref<!tpu.dma_semaphore, #tpu.memory_space<semaphore_mem>>)
          %dma_wait3A_49 = arith.constant 0 : i32
          %dma_wait3A_50 = tpu.memref_slice %arg3[%add3A_26, %dma_wait3A_49] : memref<40000x128xf32, #tpu.memory_space<hbm>> -> memref<80x128xf32, #tpu.memory_space<hbm>>
          %dma_wait3A_51 = arith.constant 0 : i32
          %dma_wait3A_52 = tpu.memref_slice %arg3[%add3A_26, %dma_wait3A_51] : memref<40000x128xf32, #tpu.memory_space<hbm>> -> memref<80x128xf32, #tpu.memory_space<hbm>>
          tpu.wait_dma2 semaphore(%run_scoped3A : memref<!tpu.dma_semaphore, #tpu.memory_space<semaphore_mem>>) src(%dma_wait3A_52 : memref<80x128xf32, #tpu.memory_space<hbm>>) dst(%arg20 : memref<80x128xf32, #tpu.memory_space<vmem>>)
          tpu.yield
        }) : () -> ()
        %dma_wait3A = tpu.memref_slice %arg11[%multiple_of3A_11] : memref<1280xi32, #tpu.memory_space<vmem>> -> memref<80xi32, #tpu.memory_space<vmem>>
        %dma_wait3A_27 = arith.constant 0 : i32
        %dma_wait3A_28 = arith.constant 0 : i32
        %dma_wait3A_29 = tpu.memref_slice %arg2[%dma_wait3A_27, %dma_wait3A_28] : memref<10000x128xf32, #tpu.memory_space<hbm>> -> memref<10000x128xf32, #tpu.memory_space<hbm>>
        tpu.wait_indirect_dma semaphore(%arg22 : memref<!tpu.dma_semaphore, #tpu.memory_space<semaphore_mem>>) src(%dma_wait3A_29 : memref<10000x128xf32, #tpu.memory_space<hbm>>) dst(%arg17 : memref<80x128xf32, #tpu.memory_space<vmem>>)
        %dma_wait3A_30 = tpu.memref_slice %arg12[%multiple_of3A_11] : memref<1280xi32, #tpu.memory_space<vmem>> -> memref<80xi32, #tpu.memory_space<vmem>>
        %dma_wait3A_31 = arith.constant 0 : i32
        %dma_wait3A_32 = arith.constant 0 : i32
        %dma_wait3A_33 = tpu.memref_slice %arg2[%dma_wait3A_31, %dma_wait3A_32] : memref<10000x128xf32, #tpu.memory_space<hbm>> -> memref<10000x128xf32, #tpu.memory_space<hbm>>
        tpu.wait_indirect_dma semaphore(%arg23 : memref<!tpu.dma_semaphore, #tpu.memory_space<semaphore_mem>>) src(%dma_wait3A_33 : memref<10000x128xf32, #tpu.memory_space<hbm>>) dst(%arg18 : memref<80x128xf32, #tpu.memory_space<vmem>>)
        %dma_wait3A_34 = tpu.memref_slice %arg13[%multiple_of3A_11] : memref<1280xi32, #tpu.memory_space<vmem>> -> memref<80xi32, #tpu.memory_space<vmem>>
        %dma_wait3A_35 = arith.constant 0 : i32
        %dma_wait3A_36 = arith.constant 0 : i32
        %dma_wait3A_37 = tpu.memref_slice %arg2[%dma_wait3A_35, %dma_wait3A_36] : memref<10000x128xf32, #tpu.memory_space<hbm>> -> memref<10000x128xf32, #tpu.memory_space<hbm>>
        tpu.wait_indirect_dma semaphore(%arg24 : memref<!tpu.dma_semaphore, #tpu.memory_space<semaphore_mem>>) src(%dma_wait3A_37 : memref<10000x128xf32, #tpu.memory_space<hbm>>) dst(%arg19 : memref<80x128xf32, #tpu.memory_space<vmem>>)
        %scan3A_38 = arith.constant 0 : i32
        %scan3A_39 = arith.constant 0 : i32
        %scan3A_40 = arith.constant 80 : i32
        %scan3A_41 = arith.addi %scan3A_39, %scan3A_40 : i32
        %scan3A_42 = arith.constant 1 : i32
        scf.for %scan3A_45 = %scan3A_39 to %scan3A_41 step %scan3A_42  : i32 {
          %add3A_46 = arith.addi %multiple_of3A_11, %scan3A_45 : i32
          %broadcast_in_dim3A = vector.broadcast %add3A_46 : i32 to vector<16xi32>
          %gather3A = tpu.vector_load_idx %arg14[%broadcast_in_dim3A] : memref<1280xf32, #tpu.memory_space<vmem>>[vector<16xi32>], vector<16xf32>,
          %gather3A_47 = tpu.vector_load_idx %arg15[%broadcast_in_dim3A] : memref<1280xf32, #tpu.memory_space<vmem>>[vector<16xi32>], vector<16xf32>,
          %gather3A_48 = tpu.vector_load_idx %arg16[%broadcast_in_dim3A] : memref<1280xf32, #tpu.memory_space<vmem>>[vector<16xi32>], vector<16xf32>,
          %get3A = arith.index_cast %scan3A_45 : i32 to index
          %get3A_49 = arith.constant 0 : index
          %get3A_50 = tpu.vector_load %arg20[%get3A, %get3A_49] {strides = array<i32>} : memref<80x128xf32, #tpu.memory_space<vmem>>, vector<16xf32>,
          %get3A_51 = arith.index_cast %scan3A_45 : i32 to index
          %get3A_52 = arith.constant 0 : index
          %get3A_53 = tpu.vector_load %arg17[%get3A_51, %get3A_52] {strides = array<i32>} : memref<80x128xf32, #tpu.memory_space<vmem>>, vector<16xf32>,
          %mul3A_54 = arith.mulf %gather3A, %get3A_53 : vector<16xf32>
          %add3A_55 = arith.addf %get3A_50, %mul3A_54 : vector<16xf32>
          %get3A_56 = arith.index_cast %scan3A_45 : i32 to index
          %get3A_57 = arith.constant 0 : index
          %get3A_58 = tpu.vector_load %arg18[%get3A_56, %get3A_57] {strides = array<i32>} : memref<80x128xf32, #tpu.memory_space<vmem>>, vector<16xf32>,
          %mul3A_59 = arith.mulf %gather3A_47, %get3A_58 : vector<16xf32>
          %add3A_60 = arith.addf %add3A_55, %mul3A_59 : vector<16xf32>
          %get3A_61 = arith.index_cast %scan3A_45 : i32 to index
          %get3A_62 = arith.constant 0 : index
          %get3A_63 = tpu.vector_load %arg19[%get3A_61, %get3A_62] {strides = array<i32>} : memref<80x128xf32, #tpu.memory_space<vmem>>, vector<16xf32>,
          %mul3A_64 = arith.mulf %gather3A_48, %get3A_63 : vector<16xf32>
          %add3A_65 = arith.addf %add3A_60, %mul3A_64 : vector<16xf32>
          %swap3A = arith.index_cast %scan3A_45 : i32 to index
          %swap3A_66 = arith.constant 0 : index
          %swap3A_67 = tpu.vector_load %arg21[%swap3A, %swap3A_66] {strides = array<i32>} : memref<80x128xf32, #tpu.memory_space<vmem>>, vector<16xf32>,
          tpu.vector_store %arg21[%swap3A, %swap3A_66], %add3A_65 {strides = array<i32>} : memref<80x128xf32, #tpu.memory_space<vmem>>, vector<16xf32>,
          %get3A_68 = arith.index_cast %scan3A_45 : i32 to index
          %get3A_69 = arith.constant 16 : index
          %get3A_70 = tpu.vector_load %arg20[%get3A_68, %get3A_69] {strides = array<i32>} : memref<80x128xf32, #tpu.memory_space<vmem>>, vector<16xf32>,
          %get3A_71 = arith.index_cast %scan3A_45 : i32 to index
          %get3A_72 = arith.constant 16 : index
          %get3A_73 = tpu.vector_load %arg17[%get3A_71, %get3A_72] {strides = array<i32>} : memref<80x128xf32, #tpu.memory_space<vmem>>, vector<16xf32>,
          %mul3A_74 = arith.mulf %gather3A, %get3A_73 : vector<16xf32>
          %add3A_75 = arith.addf %get3A_70, %mul3A_74 : vector<16xf32>
          %get3A_76 = arith.index_cast %scan3A_45 : i32 to index
          %get3A_77 = arith.constant 16 : index
          %get3A_78 = tpu.vector_load %arg18[%get3A_76, %get3A_77] {strides = array<i32>} : memref<80x128xf32, #tpu.memory_space<vmem>>, vector<16xf32>,
          %mul3A_79 = arith.mulf %gather3A_47, %get3A_78 : vector<16xf32>
          %add3A_80 = arith.addf %add3A_75, %mul3A_79 : vector<16xf32>
          %get3A_81 = arith.index_cast %scan3A_45 : i32 to index
          %get3A_82 = arith.constant 16 : index
          %get3A_83 = tpu.vector_load %arg19[%get3A_81, %get3A_82] {strides = array<i32>} : memref<80x128xf32, #tpu.memory_space<vmem>>, vector<16xf32>,
          %mul3A_84 = arith.mulf %gather3A_48, %get3A_83 : vector<16xf32>
          %add3A_85 = arith.addf %add3A_80, %mul3A_84 : vector<16xf32>
          %swap3A_86 = arith.index_cast %scan3A_45 : i32 to index
          %swap3A_87 = arith.constant 16 : index
          %swap3A_88 = tpu.vector_load %arg21[%swap3A_86, %swap3A_87] {strides = array<i32>} : memref<80x128xf32, #tpu.memory_space<vmem>>, vector<16xf32>,
          tpu.vector_store %arg21[%swap3A_86, %swap3A_87], %add3A_85 {strides = array<i32>} : memref<80x128xf32, #tpu.memory_space<vmem>>, vector<16xf32>,
          %get3A_89 = arith.index_cast %scan3A_45 : i32 to index
          %get3A_90 = arith.constant 32 : index
          %get3A_91 = tpu.vector_load %arg20[%get3A_89, %get3A_90] {strides = array<i32>} : memref<80x128xf32, #tpu.memory_space<vmem>>, vector<16xf32>,
          %get3A_92 = arith.index_cast %scan3A_45 : i32 to index
          %get3A_93 = arith.constant 32 : index
          %get3A_94 = tpu.vector_load %arg17[%get3A_92, %get3A_93] {strides = array<i32>} : memref<80x128xf32, #tpu.memory_space<vmem>>, vector<16xf32>,
          %mul3A_95 = arith.mulf %gather3A, %get3A_94 : vector<16xf32>
          %add3A_96 = arith.addf %get3A_91, %mul3A_95 : vector<16xf32>
          %get3A_97 = arith.index_cast %scan3A_45 : i32 to index
          %get3A_98 = arith.constant 32 : index
          %get3A_99 = tpu.vector_load %arg18[%get3A_97, %get3A_98] {strides = array<i32>} : memref<80x128xf32, #tpu.memory_space<vmem>>, vector<16xf32>,
          %mul3A_100 = arith.mulf %gather3A_47, %get3A_99 : vector<16xf32>
          %add3A_101 = arith.addf %add3A_96, %mul3A_100 : vector<16xf32>
          %get3A_102 = arith.index_cast %scan3A_45 : i32 to index
          %get3A_103 = arith.constant 32 : index
          %get3A_104 = tpu.vector_load %arg19[%get3A_102, %get3A_103] {strides = array<i32>} : memref<80x128xf32, #tpu.memory_space<vmem>>, vector<16xf32>,
          %mul3A_105 = arith.mulf %gather3A_48, %get3A_104 : vector<16xf32>
          %add3A_106 = arith.addf %add3A_101, %mul3A_105 : vector<16xf32>
          %swap3A_107 = arith.index_cast %scan3A_45 : i32 to index
          %swap3A_108 = arith.constant 32 : index
          %swap3A_109 = tpu.vector_load %arg21[%swap3A_107, %swap3A_108] {strides = array<i32>} : memref<80x128xf32, #tpu.memory_space<vmem>>, vector<16xf32>,
          tpu.vector_store %arg21[%swap3A_107, %swap3A_108], %add3A_106 {strides = array<i32>} : memref<80x128xf32, #tpu.memory_space<vmem>>, vector<16xf32>,
          %get3A_110 = arith.index_cast %scan3A_45 : i32 to index
          %get3A_111 = arith.constant 48 : index
          %get3A_112 = tpu.vector_load %arg20[%get3A_110, %get3A_111] {strides = array<i32>} : memref<80x128xf32, #tpu.memory_space<vmem>>, vector<16xf32>,
          %get3A_113 = arith.index_cast %scan3A_45 : i32 to index
          %get3A_114 = arith.constant 48 : index
          %get3A_115 = tpu.vector_load %arg17[%get3A_113, %get3A_114] {strides = array<i32>} : memref<80x128xf32, #tpu.memory_space<vmem>>, vector<16xf32>,
          %mul3A_116 = arith.mulf %gather3A, %get3A_115 : vector<16xf32>
          %add3A_117 = arith.addf %get3A_112, %mul3A_116 : vector<16xf32>
          %get3A_118 = arith.index_cast %scan3A_45 : i32 to index
          %get3A_119 = arith.constant 48 : index
          %get3A_120 = tpu.vector_load %arg18[%get3A_118, %get3A_119] {strides = array<i32>} : memref<80x128xf32, #tpu.memory_space<vmem>>, vector<16xf32>,
          %mul3A_121 = arith.mulf %gather3A_47, %get3A_120 : vector<16xf32>
          %add3A_122 = arith.addf %add3A_117, %mul3A_121 : vector<16xf32>
          %get3A_123 = arith.index_cast %scan3A_45 : i32 to index
          %get3A_124 = arith.constant 48 : index
          %get3A_125 = tpu.vector_load %arg19[%get3A_123, %get3A_124] {strides = array<i32>} : memref<80x128xf32, #tpu.memory_space<vmem>>, vector<16xf32>,
          %mul3A_126 = arith.mulf %gather3A_48, %get3A_125 : vector<16xf32>
          %add3A_127 = arith.addf %add3A_122, %mul3A_126 : vector<16xf32>
          %swap3A_128 = arith.index_cast %scan3A_45 : i32 to index
          %swap3A_129 = arith.constant 48 : index
          %swap3A_130 = tpu.vector_load %arg21[%swap3A_128, %swap3A_129] {strides = array<i32>} : memref<80x128xf32, #tpu.memory_space<vmem>>, vector<16xf32>,
          tpu.vector_store %arg21[%swap3A_128, %swap3A_129], %add3A_127 {strides = array<i32>} : memref<80x128xf32, #tpu.memory_space<vmem>>, vector<16xf32>,
          %get3A_131 = arith.index_cast %scan3A_45 : i32 to index
          %get3A_132 = arith.constant 64 : index
          %get3A_133 = tpu.vector_load %arg20[%get3A_131, %get3A_132] {strides = array<i32>} : memref<80x128xf32, #tpu.memory_space<vmem>>, vector<16xf32>,
          %get3A_134 = arith.index_cast %scan3A_45 : i32 to index
          %get3A_135 = arith.constant 64 : index
          %get3A_136 = tpu.vector_load %arg17[%get3A_134, %get3A_135] {strides = array<i32>} : memref<80x128xf32, #tpu.memory_space<vmem>>, vector<16xf32>,
          %mul3A_137 = arith.mulf %gather3A, %get3A_136 : vector<16xf32>
          %add3A_138 = arith.addf %get3A_133, %mul3A_137 : vector<16xf32>
          %get3A_139 = arith.index_cast %scan3A_45 : i32 to index
          %get3A_140 = arith.constant 64 : index
          %get3A_141 = tpu.vector_load %arg18[%get3A_139, %get3A_140] {strides = array<i32>} : memref<80x128xf32, #tpu.memory_space<vmem>>, vector<16xf32>,
          %mul3A_142 = arith.mulf %gather3A_47, %get3A_141 : vector<16xf32>
          %add3A_143 = arith.addf %add3A_138, %mul3A_142 : vector<16xf32>
          %get3A_144 = arith.index_cast %scan3A_45 : i32 to index
          %get3A_145 = arith.constant 64 : index
          %get3A_146 = tpu.vector_load %arg19[%get3A_144, %get3A_145] {strides = array<i32>} : memref<80x128xf32, #tpu.memory_space<vmem>>, vector<16xf32>,
          %mul3A_147 = arith.mulf %gather3A_48, %get3A_146 : vector<16xf32>
          %add3A_148 = arith.addf %add3A_143, %mul3A_147 : vector<16xf32>
          %swap3A_149 = arith.index_cast %scan3A_45 : i32 to index
          %swap3A_150 = arith.constant 64 : index
          %swap3A_151 = tpu.vector_load %arg21[%swap3A_149, %swap3A_150] {strides = array<i32>} : memref<80x128xf32, #tpu.memory_space<vmem>>, vector<16xf32>,
          tpu.vector_store %arg21[%swap3A_149, %swap3A_150], %add3A_148 {strides = array<i32>} : memref<80x128xf32, #tpu.memory_space<vmem>>, vector<16xf32>,
          %get3A_152 = arith.index_cast %scan3A_45 : i32 to index
          %get3A_153 = arith.constant 80 : index
          %get3A_154 = tpu.vector_load %arg20[%get3A_152, %get3A_153] {strides = array<i32>} : memref<80x128xf32, #tpu.memory_space<vmem>>, vector<16xf32>,
          %get3A_155 = arith.index_cast %scan3A_45 : i32 to index
          %get3A_156 = arith.constant 80 : index
          %get3A_157 = tpu.vector_load %arg17[%get3A_155, %get3A_156] {strides = array<i32>} : memref<80x128xf32, #tpu.memory_space<vmem>>, vector<16xf32>,
          %mul3A_158 = arith.mulf %gather3A, %get3A_157 : vector<16xf32>
          %add3A_159 = arith.addf %get3A_154, %mul3A_158 : vector<16xf32>
          %get3A_160 = arith.index_cast %scan3A_45 : i32 to index
          %get3A_161 = arith.constant 80 : index
          %get3A_162 = tpu.vector_load %arg18[%get3A_160, %get3A_161] {strides = array<i32>} : memref<80x128xf32, #tpu.memory_space<vmem>>, vector<16xf32>,
          %mul3A_163 = arith.mulf %gather3A_47, %get3A_162 : vector<16xf32>
          %add3A_164 = arith.addf %add3A_159, %mul3A_163 : vector<16xf32>
          %get3A_165 = arith.index_cast %scan3A_45 : i32 to index
          %get3A_166 = arith.constant 80 : index
          %get3A_167 = tpu.vector_load %arg19[%get3A_165, %get3A_166] {strides = array<i32>} : memref<80x128xf32, #tpu.memory_space<vmem>>, vector<16xf32>,
          %mul3A_168 = arith.mulf %gather3A_48, %get3A_167 : vector<16xf32>
          %add3A_169 = arith.addf %add3A_164, %mul3A_168 : vector<16xf32>
          %swap3A_170 = arith.index_cast %scan3A_45 : i32 to index
          %swap3A_171 = arith.constant 80 : index
          %swap3A_172 = tpu.vector_load %arg21[%swap3A_170, %swap3A_171] {strides = array<i32>} : memref<80x128xf32, #tpu.memory_space<vmem>>, vector<16xf32>,
          tpu.vector_store %arg21[%swap3A_170, %swap3A_171], %add3A_169 {strides = array<i32>} : memref<80x128xf32, #tpu.memory_space<vmem>>, vector<16xf32>,
          %get3A_173 = arith.index_cast %scan3A_45 : i32 to index
          %get3A_174 = arith.constant 96 : index
          %get3A_175 = tpu.vector_load %arg20[%get3A_173, %get3A_174] {strides = array<i32>} : memref<80x128xf32, #tpu.memory_space<vmem>>, vector<16xf32>,
          %get3A_176 = arith.index_cast %scan3A_45 : i32 to index
          %get3A_177 = arith.constant 96 : index
          %get3A_178 = tpu.vector_load %arg17[%get3A_176, %get3A_177] {strides = array<i32>} : memref<80x128xf32, #tpu.memory_space<vmem>>, vector<16xf32>,
          %mul3A_179 = arith.mulf %gather3A, %get3A_178 : vector<16xf32>
          %add3A_180 = arith.addf %get3A_175, %mul3A_179 : vector<16xf32>
          %get3A_181 = arith.index_cast %scan3A_45 : i32 to index
          %get3A_182 = arith.constant 96 : index
          %get3A_183 = tpu.vector_load %arg18[%get3A_181, %get3A_182] {strides = array<i32>} : memref<80x128xf32, #tpu.memory_space<vmem>>, vector<16xf32>,
          %mul3A_184 = arith.mulf %gather3A_47, %get3A_183 : vector<16xf32>
          %add3A_185 = arith.addf %add3A_180, %mul3A_184 : vector<16xf32>
          %get3A_186 = arith.index_cast %scan3A_45 : i32 to index
          %get3A_187 = arith.constant 96 : index
          %get3A_188 = tpu.vector_load %arg19[%get3A_186, %get3A_187] {strides = array<i32>} : memref<80x128xf32, #tpu.memory_space<vmem>>, vector<16xf32>,
          %mul3A_189 = arith.mulf %gather3A_48, %get3A_188 : vector<16xf32>
          %add3A_190 = arith.addf %add3A_185, %mul3A_189 : vector<16xf32>
          %swap3A_191 = arith.index_cast %scan3A_45 : i32 to index
          %swap3A_192 = arith.constant 96 : index
          %swap3A_193 = tpu.vector_load %arg21[%swap3A_191, %swap3A_192] {strides = array<i32>} : memref<80x128xf32, #tpu.memory_space<vmem>>, vector<16xf32>,
          tpu.vector_store %arg21[%swap3A_191, %swap3A_192], %add3A_190 {strides = array<i32>} : memref<80x128xf32, #tpu.memory_space<vmem>>, vector<16xf32>,
          %get3A_194 = arith.index_cast %scan3A_45 : i32 to index
          %get3A_195 = arith.constant 112 : index
          %get3A_196 = tpu.vector_load %arg20[%get3A_194, %get3A_195] {strides = array<i32>} : memref<80x128xf32, #tpu.memory_space<vmem>>, vector<16xf32>,
          %get3A_197 = arith.index_cast %scan3A_45 : i32 to index
          %get3A_198 = arith.constant 112 : index
          %get3A_199 = tpu.vector_load %arg17[%get3A_197, %get3A_198] {strides = array<i32>} : memref<80x128xf32, #tpu.memory_space<vmem>>, vector<16xf32>,
          %mul3A_200 = arith.mulf %gather3A, %get3A_199 : vector<16xf32>
          %add3A_201 = arith.addf %get3A_196, %mul3A_200 : vector<16xf32>
          %get3A_202 = arith.index_cast %scan3A_45 : i32 to index
          %get3A_203 = arith.constant 112 : index
          %get3A_204 = tpu.vector_load %arg18[%get3A_202, %get3A_203] {strides = array<i32>} : memref<80x128xf32, #tpu.memory_space<vmem>>, vector<16xf32>,
          %mul3A_205 = arith.mulf %gather3A_47, %get3A_204 : vector<16xf32>
          %add3A_206 = arith.addf %add3A_201, %mul3A_205 : vector<16xf32>
          %get3A_207 = arith.index_cast %scan3A_45 : i32 to index
          %get3A_208 = arith.constant 112 : index
          %get3A_209 = tpu.vector_load %arg19[%get3A_207, %get3A_208] {strides = array<i32>} : memref<80x128xf32, #tpu.memory_space<vmem>>, vector<16xf32>,
          %mul3A_210 = arith.mulf %gather3A_48, %get3A_209 : vector<16xf32>
          %add3A_211 = arith.addf %add3A_206, %mul3A_210 : vector<16xf32>
          %swap3A_212 = arith.index_cast %scan3A_45 : i32 to index
          %swap3A_213 = arith.constant 112 : index
          %swap3A_214 = tpu.vector_load %arg21[%swap3A_212, %swap3A_213] {strides = array<i32>} : memref<80x128xf32, #tpu.memory_space<vmem>>, vector<16xf32>,
          tpu.vector_store %arg21[%swap3A_212, %swap3A_213], %add3A_211 {strides = array<i32>} : memref<80x128xf32, #tpu.memory_space<vmem>>, vector<16xf32>,
        }
        %scan3A_43 = arith.constant 80 : i32
        %add3A_44 = arith.addi %multiple_of3A, %multiple_of3A_11 : i32
        "tpu.region"() ({
          %run_scoped3A = tpu.sem_alloc : memref<!tpu.dma_semaphore, #tpu.memory_space<semaphore_mem>>
          %dma_start3A_45 = arith.constant 0 : i32
          %dma_start3A_46 = tpu.memref_slice %arg10[%add3A_44, %dma_start3A_45] : memref<40960x128xf32, #tpu.memory_space<hbm>> -> memref<80x128xf32, #tpu.memory_space<hbm>>
          %dma_start3A_47 = arith.constant 0 : i32
          %dma_start3A_48 = tpu.memref_slice %arg10[%add3A_44, %dma_start3A_47] : memref<40960x128xf32, #tpu.memory_space<hbm>> -> memref<80x128xf32, #tpu.memory_space<hbm>>
          tpu.enqueue_dma source(%arg21 : memref<80x128xf32, #tpu.memory_space<vmem>>) target(%dma_start3A_48 : memref<80x128xf32, #tpu.memory_space<hbm>>) target_semaphore(%run_scoped3A : memref<!tpu.dma_semaphore, #tpu.memory_space<semaphore_mem>>)
          %dma_wait3A_49 = arith.constant 0 : i32
          %dma_wait3A_50 = tpu.memref_slice %arg10[%add3A_44, %dma_wait3A_49] : memref<40960x128xf32, #tpu.memory_space<hbm>> -> memref<80x128xf32, #tpu.memory_space<hbm>>
          %dma_wait3A_51 = arith.constant 0 : i32
          %dma_wait3A_52 = tpu.memref_slice %arg10[%add3A_44, %dma_wait3A_51] : memref<40960x128xf32, #tpu.memory_space<hbm>> -> memref<80x128xf32, #tpu.memory_space<hbm>>
          tpu.wait_dma2 semaphore(%run_scoped3A : memref<!tpu.dma_semaphore, #tpu.memory_space<semaphore_mem>>) src(%arg21 : memref<80x128xf32, #tpu.memory_space<vmem>>) dst(%dma_wait3A_52 : memref<80x128xf32, #tpu.memory_space<hbm>>)
          tpu.yield
        }) : () -> ()
      } else {
      }
    }
    %scan3A_7 = arith.constant 16 : i32
    return
  }
}

module attributes {stable_mosaic.version = 14 : i64} {
  func.func @_knn_body(%arg0: i32, %arg1: memref<400x128xf32, #tpu.memory_space<vmem>>, %arg2: memref<128xf32, #tpu.memory_space<vmem>>, %arg3: memref<128xf32, #tpu.memory_space<vmem>>, %arg4: memref<128x128xf32, #tpu.memory_space<vmem>>, %arg5: memref<128xf32, #tpu.memory_space<vmem>>, %arg6: memref<400x3xf32, #tpu.memory_space<vmem>>, %arg7: memref<3x10112xf32, #tpu.memory_space<vmem>>, %arg8: memref<400x128xf32, #tpu.memory_space<vmem>>, %arg9: memref<400x1xi32, #tpu.memory_space<vmem>>, %arg10: memref<400x1xi32, #tpu.memory_space<vmem>>, %arg11: memref<400x1xi32, #tpu.memory_space<vmem>>, %arg12: memref<400x1xf32, #tpu.memory_space<vmem>>, %arg13: memref<400x1xf32, #tpu.memory_space<vmem>>, %arg14: memref<400x1xf32, #tpu.memory_space<vmem>>, %arg15: memref<400x10112xf32, #tpu.memory_space<vmem>>) attributes {dimension_semantics = [#tpu.dimension_semantics<arbitrary>], iteration_bounds = array<i64: 100>, scalar_prefetch = 0 : i64, scratch_operands = 1 : i64, tpu.core_type = #tpu.core_type<tc>, window_params = [{transform_indices = @transform_0, window_bounds = array<i64: 400, 128>}, {pipeline_mode = #tpu.pipeline_mode<synchronous>, transform_indices = @transform_1, window_bounds = array<i64: 128>}, {pipeline_mode = #tpu.pipeline_mode<synchronous>, transform_indices = @transform_2, window_bounds = array<i64: 128>}, {pipeline_mode = #tpu.pipeline_mode<synchronous>, transform_indices = @transform_3, window_bounds = array<i64: 128, 128>}, {pipeline_mode = #tpu.pipeline_mode<synchronous>, transform_indices = @transform_4, window_bounds = array<i64: 128>}, {transform_indices = @transform_5, window_bounds = array<i64: 400, 3>}, {pipeline_mode = #tpu.pipeline_mode<synchronous>, transform_indices = @transform_6, window_bounds = array<i64: 3, 10112>}, {transform_indices = @transform_7, window_bounds = array<i64: 400, 128>}, {transform_indices = @transform_8, window_bounds = array<i64: 400, 1>}, {transform_indices = @transform_9, window_bounds = array<i64: 400, 1>}, {transform_indices = @transform_10, window_bounds = array<i64: 400, 1>}, {transform_indices = @transform_11, window_bounds = array<i64: 400, 1>}, {transform_indices = @transform_12, window_bounds = array<i64: 400, 1>}, {transform_indices = @transform_13, window_bounds = array<i64: 400, 1>}]} {
    %get3A = arith.constant 0 : index
    %get3A_0 = arith.constant 0 : index
    %get3A_1 = vector.load %arg1[%get3A, %get3A_0] : memref<400x128xf32, #tpu.memory_space<vmem>>, vector<400x128xf32>
    %get3A_2 = arith.constant 0 : index
    %get3A_3 = vector.load %arg2[%get3A_2] : memref<128xf32, #tpu.memory_space<vmem>>, vector<128xf32>
    %get3A_4 = arith.constant 0 : index
    %get3A_5 = vector.load %arg3[%get3A_4] : memref<128xf32, #tpu.memory_space<vmem>>, vector<128xf32>
    %reduce_sum3A = arith.constant dense<0.000000e+00> : vector<400xf32>
    %reduce_sum3A_6 = vector.multi_reduction <add>, %get3A_1, %reduce_sum3A [1] : vector<400x128xf32> to vector<400xf32>
    %broadcast_in_dim3A = vector.shape_cast %reduce_sum3A_6 : vector<400xf32> to vector<400x1xf32>
    %div3A = arith.constant 1.280000e+02 : f32
    %div3A_7 = vector.broadcast %div3A : f32 to vector<400x1xf32>
    %div3A_8 = arith.divf %broadcast_in_dim3A, %div3A_7 : vector<400x1xf32>
    %sub3A = vector.broadcast %div3A_8 : vector<400x1xf32> to vector<400x128xf32>
    %sub3A_9 = arith.subf %get3A_1, %sub3A : vector<400x128xf32>
    %integer_pow3A = arith.mulf %sub3A_9, %sub3A_9 : vector<400x128xf32>
    %reduce_sum3A_10 = arith.constant dense<0.000000e+00> : vector<400xf32>
    %reduce_sum3A_11 = vector.multi_reduction <add>, %integer_pow3A, %reduce_sum3A_10 [1] : vector<400x128xf32> to vector<400xf32>
    %broadcast_in_dim3A_12 = vector.shape_cast %reduce_sum3A_11 : vector<400xf32> to vector<400x1xf32>
    %div3A_13 = arith.constant 1.280000e+02 : f32
    %div3A_14 = vector.broadcast %div3A_13 : f32 to vector<400x1xf32>
    %div3A_15 = arith.divf %broadcast_in_dim3A_12, %div3A_14 : vector<400x1xf32>
    %sub3A_16 = vector.broadcast %div3A_8 : vector<400x1xf32> to vector<400x128xf32>
    %sub3A_17 = arith.subf %get3A_1, %sub3A_16 : vector<400x128xf32>
    %add3A = arith.constant 9.99999974E-6 : f32
    %add3A_18 = vector.broadcast %add3A : f32 to vector<400x1xf32>
    %add3A_19 = arith.addf %div3A_15, %add3A_18 : vector<400x1xf32>
    %sqrt3A = math.sqrt %add3A_19 : vector<400x1xf32>
    %div3A_20 = vector.broadcast %sqrt3A : vector<400x1xf32> to vector<400x128xf32>
    %div3A_21 = arith.divf %sub3A_17, %div3A_20 : vector<400x128xf32>
    %broadcast_in_dim3A_22 = vector.shape_cast %get3A_3 : vector<128xf32> to vector<1x128xf32>
    %mul3A = vector.broadcast %broadcast_in_dim3A_22 : vector<1x128xf32> to vector<400x128xf32>
    %mul3A_23 = arith.mulf %div3A_21, %mul3A : vector<400x128xf32>
    %broadcast_in_dim3A_24 = vector.shape_cast %get3A_5 : vector<128xf32> to vector<1x128xf32>
    %add3A_25 = vector.broadcast %broadcast_in_dim3A_24 : vector<1x128xf32> to vector<400x128xf32>
    %add3A_26 = arith.addf %mul3A_23, %add3A_25 : vector<400x128xf32>
    %get3A_27 = arith.constant 0 : index
    %get3A_28 = arith.constant 0 : index
    %get3A_29 = vector.load %arg4[%get3A_27, %get3A_28] : memref<128x128xf32, #tpu.memory_space<vmem>>, vector<128x128xf32>
    %dot_general3A = arith.constant dense<0.000000e+00> : vector<400x128xf32>
    %dot_general3A_30 = tpu.matmul %add3A_26, %get3A_29, %dot_general3A {dimension_numbers = #tpu.dot_dimension_numbers<[1], [0], [0], [1], [0, 0, 1, 1], [], []>, transpose_lhs_hint = false} : vector<400x128xf32>, vector<128x128xf32>, vector<400x128xf32> -> vector<400x128xf32>
    %get3A_31 = arith.constant 0 : index
    %get3A_32 = vector.load %arg5[%get3A_31] : memref<128xf32, #tpu.memory_space<vmem>>, vector<128xf32>
    %broadcast_in_dim3A_33 = vector.shape_cast %get3A_32 : vector<128xf32> to vector<1x128xf32>
    %add3A_34 = vector.broadcast %broadcast_in_dim3A_33 : vector<1x128xf32> to vector<400x128xf32>
    %add3A_35 = arith.addf %dot_general3A_30, %add3A_34 : vector<400x128xf32>
    %swap3A = arith.constant 0 : index
    %swap3A_36 = arith.constant 0 : index
    %swap3A_37 = vector.load %arg8[%swap3A, %swap3A_36] : memref<400x128xf32, #tpu.memory_space<vmem>>, vector<400x128xf32>
    tpu.vector_store %arg8[%swap3A, %swap3A_36], %add3A_35 {strides = array<i32>} : memref<400x128xf32, #tpu.memory_space<vmem>>, vector<400x128xf32>,
    %get3A_38 = arith.constant 0 : index
    %get3A_39 = arith.constant 0 : index
    %get3A_40 = vector.load %arg6[%get3A_38, %get3A_39] : memref<400x3xf32, #tpu.memory_space<vmem>>, vector<400x3xf32>
    %slice3A = vector.extract_strided_slice %get3A_40 {offsets = [0, 0], sizes = [400, 1], strides = [1, 1]} : vector<400x3xf32> to vector<400x1xf32>
    %slice3A_41 = vector.extract_strided_slice %get3A_40 {offsets = [0, 1], sizes = [400, 1], strides = [1, 1]} : vector<400x3xf32> to vector<400x1xf32>
    %slice3A_42 = vector.extract_strided_slice %get3A_40 {offsets = [0, 2], sizes = [400, 1], strides = [1, 1]} : vector<400x3xf32> to vector<400x1xf32>
    %get3A_43 = arith.constant 0 : index
    %get3A_44 = arith.constant 0 : index
    %get3A_45 = vector.load %arg7[%get3A_43, %get3A_44] : memref<3x10112xf32, #tpu.memory_space<vmem>>, vector<1x10112xf32>
    %get3A_46 = arith.constant 1 : index
    %get3A_47 = arith.constant 0 : index
    %get3A_48 = vector.load %arg7[%get3A_46, %get3A_47] : memref<3x10112xf32, #tpu.memory_space<vmem>>, vector<1x10112xf32>
    %get3A_49 = arith.constant 2 : index
    %get3A_50 = arith.constant 0 : index
    %get3A_51 = vector.load %arg7[%get3A_49, %get3A_50] : memref<3x10112xf32, #tpu.memory_space<vmem>>, vector<1x10112xf32>
    %sub3A_52 = vector.broadcast %slice3A : vector<400x1xf32> to vector<400x10112xf32>
    %sub3A_53 = vector.broadcast %get3A_45 : vector<1x10112xf32> to vector<400x10112xf32>
    %sub3A_54 = arith.subf %sub3A_52, %sub3A_53 : vector<400x10112xf32>
    %sub3A_55 = vector.broadcast %slice3A_41 : vector<400x1xf32> to vector<400x10112xf32>
    %sub3A_56 = vector.broadcast %get3A_48 : vector<1x10112xf32> to vector<400x10112xf32>
    %sub3A_57 = arith.subf %sub3A_55, %sub3A_56 : vector<400x10112xf32>
    %sub3A_58 = vector.broadcast %slice3A_42 : vector<400x1xf32> to vector<400x10112xf32>
    %sub3A_59 = vector.broadcast %get3A_51 : vector<1x10112xf32> to vector<400x10112xf32>
    %sub3A_60 = arith.subf %sub3A_58, %sub3A_59 : vector<400x10112xf32>
    %mul3A_61 = arith.mulf %sub3A_54, %sub3A_54 : vector<400x10112xf32>
    %mul3A_62 = arith.mulf %sub3A_57, %sub3A_57 : vector<400x10112xf32>
    %add3A_63 = arith.addf %mul3A_61, %mul3A_62 : vector<400x10112xf32>
    %mul3A_64 = arith.mulf %sub3A_60, %sub3A_60 : vector<400x10112xf32>
    %add3A_65 = arith.addf %add3A_63, %mul3A_64 : vector<400x10112xf32>
    %swap3A_66 = arith.constant 0 : index
    %swap3A_67 = arith.constant 0 : index
    %swap3A_68 = vector.load %arg15[%swap3A_66, %swap3A_67] : memref<400x10112xf32, #tpu.memory_space<vmem>>, vector<400x10112xf32>
    tpu.vector_store %arg15[%swap3A_66, %swap3A_67], %add3A_65 {strides = array<i32>} : memref<400x10112xf32, #tpu.memory_space<vmem>>, vector<400x10112xf32>,
    %iota3A = tpu.iota {dimensions = array<i32: 1>} : vector<400x10112xi32>
    %convert_element_type3A = arith.sitofp %iota3A : vector<400x10112xi32> to vector<400x10112xf32>
    %get3A_69 = arith.constant 0 : index
    %get3A_70 = arith.constant 0 : index
    %get3A_71 = vector.load %arg15[%get3A_69, %get3A_70] : memref<400x10112xf32, #tpu.memory_space<vmem>>, vector<400x10112xf32>
    %reduce_min3A = arith.constant dense<0x7F800000> : vector<400xf32>
    %reduce_min3A_72 = vector.multi_reduction <minimumf>, %get3A_71, %reduce_min3A [1] : vector<400x10112xf32> to vector<400xf32>
    %broadcast_in_dim3A_73 = vector.shape_cast %reduce_min3A_72 : vector<400xf32> to vector<400x1xf32>
    %eq3A = vector.broadcast %broadcast_in_dim3A_73 : vector<400x1xf32> to vector<400x10112xf32>
    %eq3A_74 = arith.cmpf oeq, %get3A_71, %eq3A : vector<400x10112xf32>
    %jit3A = arith.constant 1.000000e+09 : f32
    %broadcast_in_dim3A_75 = vector.broadcast %jit3A : f32 to vector<400x10112xf32>
    %select_n3A = arith.select %eq3A_74, %convert_element_type3A, %broadcast_in_dim3A_75 : vector<400x10112xi1>, vector<400x10112xf32>
    %reduce_min3A_76 = arith.constant dense<0x7F800000> : vector<400xf32>
    %reduce_min3A_77 = vector.multi_reduction <minimumf>, %select_n3A, %reduce_min3A_76 [1] : vector<400x10112xf32> to vector<400xf32>
    %broadcast_in_dim3A_78 = vector.shape_cast %reduce_min3A_77 : vector<400xf32> to vector<400x1xf32>
    %eq3A_79 = vector.broadcast %broadcast_in_dim3A_78 : vector<400x1xf32> to vector<400x10112xf32>
    %eq3A_80 = arith.cmpf oeq, %convert_element_type3A, %eq3A_79 : vector<400x10112xf32>
    %jit3A_81 = arith.constant 0x7F800000 : f32
    %broadcast_in_dim3A_82 = vector.broadcast %jit3A_81 : f32 to vector<400x10112xf32>
    %select_n3A_83 = arith.select %eq3A_80, %broadcast_in_dim3A_82, %get3A_71 : vector<400x10112xi1>, vector<400x10112xf32>
    %swap3A_84 = arith.constant 0 : index
    %swap3A_85 = arith.constant 0 : index
    %swap3A_86 = vector.load %arg15[%swap3A_84, %swap3A_85] : memref<400x10112xf32, #tpu.memory_space<vmem>>, vector<400x10112xf32>
    tpu.vector_store %arg15[%swap3A_84, %swap3A_85], %select_n3A_83 {strides = array<i32>} : memref<400x10112xf32, #tpu.memory_space<vmem>>, vector<400x10112xf32>,
    %get3A_87 = arith.constant 0 : index
    %get3A_88 = arith.constant 0 : index
    %get3A_89 = vector.load %arg15[%get3A_87, %get3A_88] : memref<400x10112xf32, #tpu.memory_space<vmem>>, vector<400x10112xf32>
    %reduce_min3A_90 = arith.constant dense<0x7F800000> : vector<400xf32>
    %reduce_min3A_91 = vector.multi_reduction <minimumf>, %get3A_89, %reduce_min3A_90 [1] : vector<400x10112xf32> to vector<400xf32>
    %broadcast_in_dim3A_92 = vector.shape_cast %reduce_min3A_91 : vector<400xf32> to vector<400x1xf32>
    %eq3A_93 = vector.broadcast %broadcast_in_dim3A_92 : vector<400x1xf32> to vector<400x10112xf32>
    %eq3A_94 = arith.cmpf oeq, %get3A_89, %eq3A_93 : vector<400x10112xf32>
    %jit3A_95 = arith.constant 1.000000e+09 : f32
    %broadcast_in_dim3A_96 = vector.broadcast %jit3A_95 : f32 to vector<400x10112xf32>
    %select_n3A_97 = arith.select %eq3A_94, %convert_element_type3A, %broadcast_in_dim3A_96 : vector<400x10112xi1>, vector<400x10112xf32>
    %reduce_min3A_98 = arith.constant dense<0x7F800000> : vector<400xf32>
    %reduce_min3A_99 = vector.multi_reduction <minimumf>, %select_n3A_97, %reduce_min3A_98 [1] : vector<400x10112xf32> to vector<400xf32>
    %broadcast_in_dim3A_100 = vector.shape_cast %reduce_min3A_99 : vector<400xf32> to vector<400x1xf32>
    %eq3A_101 = vector.broadcast %broadcast_in_dim3A_100 : vector<400x1xf32> to vector<400x10112xf32>
    %eq3A_102 = arith.cmpf oeq, %convert_element_type3A, %eq3A_101 : vector<400x10112xf32>
    %jit3A_103 = arith.constant 0x7F800000 : f32
    %broadcast_in_dim3A_104 = vector.broadcast %jit3A_103 : f32 to vector<400x10112xf32>
    %select_n3A_105 = arith.select %eq3A_102, %broadcast_in_dim3A_104, %get3A_89 : vector<400x10112xi1>, vector<400x10112xf32>
    %swap3A_106 = arith.constant 0 : index
    %swap3A_107 = arith.constant 0 : index
    %swap3A_108 = vector.load %arg15[%swap3A_106, %swap3A_107] : memref<400x10112xf32, #tpu.memory_space<vmem>>, vector<400x10112xf32>
    tpu.vector_store %arg15[%swap3A_106, %swap3A_107], %select_n3A_105 {strides = array<i32>} : memref<400x10112xf32, #tpu.memory_space<vmem>>, vector<400x10112xf32>,
    %get3A_109 = arith.constant 0 : index
    %get3A_110 = arith.constant 0 : index
    %get3A_111 = vector.load %arg15[%get3A_109, %get3A_110] : memref<400x10112xf32, #tpu.memory_space<vmem>>, vector<400x10112xf32>
    %reduce_min3A_112 = arith.constant dense<0x7F800000> : vector<400xf32>
    %reduce_min3A_113 = vector.multi_reduction <minimumf>, %get3A_111, %reduce_min3A_112 [1] : vector<400x10112xf32> to vector<400xf32>
    %broadcast_in_dim3A_114 = vector.shape_cast %reduce_min3A_113 : vector<400xf32> to vector<400x1xf32>
    %eq3A_115 = vector.broadcast %broadcast_in_dim3A_114 : vector<400x1xf32> to vector<400x10112xf32>
    %eq3A_116 = arith.cmpf oeq, %get3A_111, %eq3A_115 : vector<400x10112xf32>
    %jit3A_117 = arith.constant 1.000000e+09 : f32
    %broadcast_in_dim3A_118 = vector.broadcast %jit3A_117 : f32 to vector<400x10112xf32>
    %select_n3A_119 = arith.select %eq3A_116, %convert_element_type3A, %broadcast_in_dim3A_118 : vector<400x10112xi1>, vector<400x10112xf32>
    %reduce_min3A_120 = arith.constant dense<0x7F800000> : vector<400xf32>
    %reduce_min3A_121 = vector.multi_reduction <minimumf>, %select_n3A_119, %reduce_min3A_120 [1] : vector<400x10112xf32> to vector<400xf32>
    %broadcast_in_dim3A_122 = vector.shape_cast %reduce_min3A_121 : vector<400xf32> to vector<400x1xf32>
    %max3A = arith.constant 9.99999996E-13 : f32
    %max3A_123 = vector.broadcast %max3A : f32 to vector<400x1xf32>
    %max3A_124 = arith.maximumf %broadcast_in_dim3A_73, %max3A_123 : vector<400x1xf32>
    %sqrt3A_125 = math.sqrt %max3A_124 : vector<400x1xf32>
    %add3A_126 = arith.constant 9.99999993E-9 : f32
    %add3A_127 = vector.broadcast %add3A_126 : f32 to vector<400x1xf32>
    %add3A_128 = arith.addf %sqrt3A_125, %add3A_127 : vector<400x1xf32>
    %div3A_129 = arith.constant 1.000000e+00 : f32
    %div3A_130 = vector.broadcast %div3A_129 : f32 to vector<400x1xf32>
    %div3A_131 = arith.divf %div3A_130, %add3A_128 : vector<400x1xf32>
    %max3A_132 = arith.constant 9.99999996E-13 : f32
    %max3A_133 = vector.broadcast %max3A_132 : f32 to vector<400x1xf32>
    %max3A_134 = arith.maximumf %broadcast_in_dim3A_92, %max3A_133 : vector<400x1xf32>
    %sqrt3A_135 = math.sqrt %max3A_134 : vector<400x1xf32>
    %add3A_136 = arith.constant 9.99999993E-9 : f32
    %add3A_137 = vector.broadcast %add3A_136 : f32 to vector<400x1xf32>
    %add3A_138 = arith.addf %sqrt3A_135, %add3A_137 : vector<400x1xf32>
    %div3A_139 = arith.constant 1.000000e+00 : f32
    %div3A_140 = vector.broadcast %div3A_139 : f32 to vector<400x1xf32>
    %div3A_141 = arith.divf %div3A_140, %add3A_138 : vector<400x1xf32>
    %max3A_142 = arith.constant 9.99999996E-13 : f32
    %max3A_143 = vector.broadcast %max3A_142 : f32 to vector<400x1xf32>
    %max3A_144 = arith.maximumf %broadcast_in_dim3A_114, %max3A_143 : vector<400x1xf32>
    %sqrt3A_145 = math.sqrt %max3A_144 : vector<400x1xf32>
    %add3A_146 = arith.constant 9.99999993E-9 : f32
    %add3A_147 = vector.broadcast %add3A_146 : f32 to vector<400x1xf32>
    %add3A_148 = arith.addf %sqrt3A_145, %add3A_147 : vector<400x1xf32>
    %div3A_149 = arith.constant 1.000000e+00 : f32
    %div3A_150 = vector.broadcast %div3A_149 : f32 to vector<400x1xf32>
    %div3A_151 = arith.divf %div3A_150, %add3A_148 : vector<400x1xf32>
    %add3A_152 = arith.addf %div3A_131, %div3A_141 : vector<400x1xf32>
    %add3A_153 = arith.addf %add3A_152, %div3A_151 : vector<400x1xf32>
    %convert_element_type3A_154 = arith.fptosi %broadcast_in_dim3A_78 : vector<400x1xf32> to vector<400x1xi32>
    %swap3A_155 = arith.constant 0 : index
    %swap3A_156 = arith.constant 0 : index
    %swap3A_157 = vector.load %arg9[%swap3A_155, %swap3A_156] : memref<400x1xi32, #tpu.memory_space<vmem>>, vector<400x1xi32>
    tpu.vector_store %arg9[%swap3A_155, %swap3A_156], %convert_element_type3A_154 {strides = array<i32>} : memref<400x1xi32, #tpu.memory_space<vmem>>, vector<400x1xi32>,
    %convert_element_type3A_158 = arith.fptosi %broadcast_in_dim3A_100 : vector<400x1xf32> to vector<400x1xi32>
    %swap3A_159 = arith.constant 0 : index
    %swap3A_160 = arith.constant 0 : index
    %swap3A_161 = vector.load %arg10[%swap3A_159, %swap3A_160] : memref<400x1xi32, #tpu.memory_space<vmem>>, vector<400x1xi32>
    tpu.vector_store %arg10[%swap3A_159, %swap3A_160], %convert_element_type3A_158 {strides = array<i32>} : memref<400x1xi32, #tpu.memory_space<vmem>>, vector<400x1xi32>,
    %convert_element_type3A_162 = arith.fptosi %broadcast_in_dim3A_122 : vector<400x1xf32> to vector<400x1xi32>
    %swap3A_163 = arith.constant 0 : index
    %swap3A_164 = arith.constant 0 : index
    %swap3A_165 = vector.load %arg11[%swap3A_163, %swap3A_164] : memref<400x1xi32, #tpu.memory_space<vmem>>, vector<400x1xi32>
    tpu.vector_store %arg11[%swap3A_163, %swap3A_164], %convert_element_type3A_162 {strides = array<i32>} : memref<400x1xi32, #tpu.memory_space<vmem>>, vector<400x1xi32>,
    %div3A_166 = arith.divf %div3A_131, %add3A_153 : vector<400x1xf32>
    %swap3A_167 = arith.constant 0 : index
    %swap3A_168 = arith.constant 0 : index
    %swap3A_169 = vector.load %arg12[%swap3A_167, %swap3A_168] : memref<400x1xf32, #tpu.memory_space<vmem>>, vector<400x1xf32>
    tpu.vector_store %arg12[%swap3A_167, %swap3A_168], %div3A_166 {strides = array<i32>} : memref<400x1xf32, #tpu.memory_space<vmem>>, vector<400x1xf32>,
    %div3A_170 = arith.divf %div3A_141, %add3A_153 : vector<400x1xf32>
    %swap3A_171 = arith.constant 0 : index
    %swap3A_172 = arith.constant 0 : index
    %swap3A_173 = vector.load %arg13[%swap3A_171, %swap3A_172] : memref<400x1xf32, #tpu.memory_space<vmem>>, vector<400x1xf32>
    tpu.vector_store %arg13[%swap3A_171, %swap3A_172], %div3A_170 {strides = array<i32>} : memref<400x1xf32, #tpu.memory_space<vmem>>, vector<400x1xf32>,
    %div3A_174 = arith.divf %div3A_151, %add3A_153 : vector<400x1xf32>
    %swap3A_175 = arith.constant 0 : index
    %swap3A_176 = arith.constant 0 : index
    %swap3A_177 = vector.load %arg14[%swap3A_175, %swap3A_176] : memref<400x1xf32, #tpu.memory_space<vmem>>, vector<400x1xf32>
    tpu.vector_store %arg14[%swap3A_175, %swap3A_176], %div3A_174 {strides = array<i32>} : memref<400x1xf32, #tpu.memory_space<vmem>>, vector<400x1xf32>,
    return
  }
  func.func @transform_0(%arg0: i32) -> (i32, i32) {
    %c0_i32 = arith.constant 0 : i32
    %c0_i32_0 = arith.constant 0 : i32
    return %arg0, %c0_i32 : i32, i32
  }
  func.func @transform_1(%arg0: i32) -> i32 {
    %c0_i32 = arith.constant 0 : i32
    %c0_i32_0 = arith.constant 0 : i32
    return %c0_i32 : i32
  }
  func.func @transform_2(%arg0: i32) -> i32 {
    %c0_i32 = arith.constant 0 : i32
    %c0_i32_0 = arith.constant 0 : i32
    return %c0_i32 : i32
  }
  func.func @transform_3(%arg0: i32) -> (i32, i32) {
    %c0_i32 = arith.constant 0 : i32
    %c0_i32_0 = arith.constant 0 : i32
    %c0_i32_1 = arith.constant 0 : i32
    return %c0_i32, %c0_i32_0 : i32, i32
  }
  func.func @transform_4(%arg0: i32) -> i32 {
    %c0_i32 = arith.constant 0 : i32
    %c0_i32_0 = arith.constant 0 : i32
    return %c0_i32 : i32
  }
  func.func @transform_5(%arg0: i32) -> (i32, i32) {
    %c0_i32 = arith.constant 0 : i32
    %c0_i32_0 = arith.constant 0 : i32
    return %arg0, %c0_i32 : i32, i32
  }
  func.func @transform_6(%arg0: i32) -> (i32, i32) {
    %c0_i32 = arith.constant 0 : i32
    %c0_i32_0 = arith.constant 0 : i32
    %c0_i32_1 = arith.constant 0 : i32
    return %c0_i32, %c0_i32_0 : i32, i32
  }
  func.func @transform_7(%arg0: i32) -> (i32, i32) {
    %c0_i32 = arith.constant 0 : i32
    %c0_i32_0 = arith.constant 0 : i32
    return %arg0, %c0_i32 : i32, i32
  }
  func.func @transform_8(%arg0: i32) -> (i32, i32) {
    %c0_i32 = arith.constant 0 : i32
    %c0_i32_0 = arith.constant 0 : i32
    return %arg0, %c0_i32 : i32, i32
  }
  func.func @transform_9(%arg0: i32) -> (i32, i32) {
    %c0_i32 = arith.constant 0 : i32
    %c0_i32_0 = arith.constant 0 : i32
    return %arg0, %c0_i32 : i32, i32
  }
  func.func @transform_10(%arg0: i32) -> (i32, i32) {
    %c0_i32 = arith.constant 0 : i32
    %c0_i32_0 = arith.constant 0 : i32
    return %arg0, %c0_i32 : i32, i32
  }
  func.func @transform_11(%arg0: i32) -> (i32, i32) {
    %c0_i32 = arith.constant 0 : i32
    %c0_i32_0 = arith.constant 0 : i32
    return %arg0, %c0_i32 : i32, i32
  }
  func.func @transform_12(%arg0: i32) -> (i32, i32) {
    %c0_i32 = arith.constant 0 : i32
    %c0_i32_0 = arith.constant 0 : i32
    return %arg0, %c0_i32 : i32, i32
  }
  func.func @transform_13(%arg0: i32) -> (i32, i32) {
    %c0_i32 = arith.constant 0 : i32
    %c0_i32_0 = arith.constant 0 : i32
    return %arg0, %c0_i32 : i32, i32
  }
}

module attributes {stable_mosaic.version = 14 : i64} {
  func.func @_lnmm_body(%arg0: i32, %arg1: memref<2000x256xf32, #tpu.memory_space<vmem>>, %arg2: memref<256xf32, #tpu.memory_space<vmem>>, %arg3: memref<256xf32, #tpu.memory_space<vmem>>, %arg4: memref<256x128xf32, #tpu.memory_space<vmem>>, %arg5: memref<128xf32, #tpu.memory_space<vmem>>, %arg6: memref<2000x128xf32, #tpu.memory_space<vmem>>) attributes {dimension_semantics = [#tpu.dimension_semantics<arbitrary>], iteration_bounds = array<i64: 5>, scalar_prefetch = 0 : i64, scratch_operands = 0 : i64, tpu.core_type = #tpu.core_type<tc>, window_params = [{transform_indices = @transform_0, window_bounds = array<i64: 2000, 256>}, {pipeline_mode = #tpu.pipeline_mode<synchronous>, transform_indices = @transform_1, window_bounds = array<i64: 256>}, {pipeline_mode = #tpu.pipeline_mode<synchronous>, transform_indices = @transform_2, window_bounds = array<i64: 256>}, {pipeline_mode = #tpu.pipeline_mode<synchronous>, transform_indices = @transform_3, window_bounds = array<i64: 256, 128>}, {pipeline_mode = #tpu.pipeline_mode<synchronous>, transform_indices = @transform_4, window_bounds = array<i64: 128>}, {transform_indices = @transform_5, window_bounds = array<i64: 2000, 128>}]} {
    %get3A = arith.constant 0 : index
    %get3A_0 = arith.constant 0 : index
    %get3A_1 = vector.load %arg1[%get3A, %get3A_0] : memref<2000x256xf32, #tpu.memory_space<vmem>>, vector<2000x256xf32>
    %get3A_2 = arith.constant 0 : index
    %get3A_3 = vector.load %arg2[%get3A_2] : memref<256xf32, #tpu.memory_space<vmem>>, vector<256xf32>
    %get3A_4 = arith.constant 0 : index
    %get3A_5 = vector.load %arg3[%get3A_4] : memref<256xf32, #tpu.memory_space<vmem>>, vector<256xf32>
    %reduce_sum3A = arith.constant dense<0.000000e+00> : vector<2000xf32>
    %reduce_sum3A_6 = vector.multi_reduction <add>, %get3A_1, %reduce_sum3A [1] : vector<2000x256xf32> to vector<2000xf32>
    %broadcast_in_dim3A = vector.shape_cast %reduce_sum3A_6 : vector<2000xf32> to vector<2000x1xf32>
    %div3A = arith.constant 2.560000e+02 : f32
    %div3A_7 = vector.broadcast %div3A : f32 to vector<2000x1xf32>
    %div3A_8 = arith.divf %broadcast_in_dim3A, %div3A_7 : vector<2000x1xf32>
    %sub3A = vector.broadcast %div3A_8 : vector<2000x1xf32> to vector<2000x256xf32>
    %sub3A_9 = arith.subf %get3A_1, %sub3A : vector<2000x256xf32>
    %integer_pow3A = arith.mulf %sub3A_9, %sub3A_9 : vector<2000x256xf32>
    %reduce_sum3A_10 = arith.constant dense<0.000000e+00> : vector<2000xf32>
    %reduce_sum3A_11 = vector.multi_reduction <add>, %integer_pow3A, %reduce_sum3A_10 [1] : vector<2000x256xf32> to vector<2000xf32>
    %broadcast_in_dim3A_12 = vector.shape_cast %reduce_sum3A_11 : vector<2000xf32> to vector<2000x1xf32>
    %div3A_13 = arith.constant 2.560000e+02 : f32
    %div3A_14 = vector.broadcast %div3A_13 : f32 to vector<2000x1xf32>
    %div3A_15 = arith.divf %broadcast_in_dim3A_12, %div3A_14 : vector<2000x1xf32>
    %sub3A_16 = vector.broadcast %div3A_8 : vector<2000x1xf32> to vector<2000x256xf32>
    %sub3A_17 = arith.subf %get3A_1, %sub3A_16 : vector<2000x256xf32>
    %add3A = arith.constant 9.99999974E-6 : f32
    %add3A_18 = vector.broadcast %add3A : f32 to vector<2000x1xf32>
    %add3A_19 = arith.addf %div3A_15, %add3A_18 : vector<2000x1xf32>
    %sqrt3A = math.sqrt %add3A_19 : vector<2000x1xf32>
    %div3A_20 = vector.broadcast %sqrt3A : vector<2000x1xf32> to vector<2000x256xf32>
    %div3A_21 = arith.divf %sub3A_17, %div3A_20 : vector<2000x256xf32>
    %broadcast_in_dim3A_22 = vector.shape_cast %get3A_3 : vector<256xf32> to vector<1x256xf32>
    %mul3A = vector.broadcast %broadcast_in_dim3A_22 : vector<1x256xf32> to vector<2000x256xf32>
    %mul3A_23 = arith.mulf %div3A_21, %mul3A : vector<2000x256xf32>
    %broadcast_in_dim3A_24 = vector.shape_cast %get3A_5 : vector<256xf32> to vector<1x256xf32>
    %add3A_25 = vector.broadcast %broadcast_in_dim3A_24 : vector<1x256xf32> to vector<2000x256xf32>
    %add3A_26 = arith.addf %mul3A_23, %add3A_25 : vector<2000x256xf32>
    %get3A_27 = arith.constant 0 : index
    %get3A_28 = arith.constant 0 : index
    %get3A_29 = vector.load %arg4[%get3A_27, %get3A_28] : memref<256x128xf32, #tpu.memory_space<vmem>>, vector<256x128xf32>
    %dot_general3A = arith.constant dense<0.000000e+00> : vector<2000x128xf32>
    %dot_general3A_30 = tpu.matmul %add3A_26, %get3A_29, %dot_general3A {dimension_numbers = #tpu.dot_dimension_numbers<[1], [0], [0], [1], [0, 0, 1, 1], [], []>, transpose_lhs_hint = false} : vector<2000x256xf32>, vector<256x128xf32>, vector<2000x128xf32> -> vector<2000x128xf32>
    %get3A_31 = arith.constant 0 : index
    %get3A_32 = vector.load %arg5[%get3A_31] : memref<128xf32, #tpu.memory_space<vmem>>, vector<128xf32>
    %broadcast_in_dim3A_33 = vector.shape_cast %get3A_32 : vector<128xf32> to vector<1x128xf32>
    %add3A_34 = vector.broadcast %broadcast_in_dim3A_33 : vector<1x128xf32> to vector<2000x128xf32>
    %add3A_35 = arith.addf %dot_general3A_30, %add3A_34 : vector<2000x128xf32>
    %swap3A = arith.constant 0 : index
    %swap3A_36 = arith.constant 0 : index
    %swap3A_37 = vector.load %arg6[%swap3A, %swap3A_36] : memref<2000x128xf32, #tpu.memory_space<vmem>>, vector<2000x128xf32>
    tpu.vector_store %arg6[%swap3A, %swap3A_36], %add3A_35 {strides = array<i32>} : memref<2000x128xf32, #tpu.memory_space<vmem>>, vector<2000x128xf32>,
    return
  }
  func.func @transform_0(%arg0: i32) -> (i32, i32) {
    %c0_i32 = arith.constant 0 : i32
    %c0_i32_0 = arith.constant 0 : i32
    return %arg0, %c0_i32 : i32, i32
  }
  func.func @transform_1(%arg0: i32) -> i32 {
    %c0_i32 = arith.constant 0 : i32
    %c0_i32_0 = arith.constant 0 : i32
    return %c0_i32 : i32
  }
  func.func @transform_2(%arg0: i32) -> i32 {
    %c0_i32 = arith.constant 0 : i32
    %c0_i32_0 = arith.constant 0 : i32
    return %c0_i32 : i32
  }
  func.func @transform_3(%arg0: i32) -> (i32, i32) {
    %c0_i32 = arith.constant 0 : i32
    %c0_i32_0 = arith.constant 0 : i32
    %c0_i32_1 = arith.constant 0 : i32
    return %c0_i32, %c0_i32_0 : i32, i32
  }
  func.func @transform_4(%arg0: i32) -> i32 {
    %c0_i32 = arith.constant 0 : i32
    %c0_i32_0 = arith.constant 0 : i32
    return %c0_i32 : i32
  }
  func.func @transform_5(%arg0: i32) -> (i32, i32) {
    %c0_i32 = arith.constant 0 : i32
    %c0_i32_0 = arith.constant 0 : i32
    return %arg0, %c0_i32 : i32, i32
  }
}

</mosaic_0001>

<sc_bundles>
// kernel: kernel.5.cloned.1.call-start
scs
__scs_entry_jumppad:
0x0: {  	(pc) =	sbr.rel $0x88, $3  }
0x1: {  	(tag) =	ssettag $0x0;
	lr =	simm.s32 $0x1  }
0x2: {  	[smem:$0x3F94] =	sst lr;
	_ =	strace $0xD0000000  }
0x3: {  	_ = 	snop  }
0x4: {  	_ = 	snop  }
0x5: {  	_ = 	snop  }
0x6: {  	_ = 	snop  }
0x7: {  	_ = 	snop  }
__scs_overlays_trampoline_lowered:
0x8: {  	[smem:$0x3FA3] =	sst s0  }
0x9: {  	[smem:$0x3FA4] =	sst s1  }
0xa: {  	[smem:$0x3FA5] =	sst s2  }
0xb: {  	[smem:$0x3FA6] =	sst s3  }
0xc: {  	[smem:$0x3FA7] =	sst s4  }
0xd: {  	[smem:$0x3FA8] =	sst s5  }
0xe: {  	[smem:$0x3FA9] =	sst s6  }
0xf: {  	[smem:$0x3FAA] =	sst s7  }
0x10: {  	[smem:$0x3FAB] =	sst s8  }
0x11: {  	[smem:$0x3FAC] =	sst s9;
	s0 =	simm.s32 @!p0 $0x0  }
0x12: {  	s1 =	sld [smem:$0x3F92];
	s0 =	simm.s32 @p0 $0x1  }
0x13: {  	[smem:$0x3FAD] =	sst s0;
	s0 =	simm.s32 @!p1 $0x0  }
0x14: {  	s2 =	sld [smem:$0x3F91];
	s0 =	simm.s32 @p1 $0x1  }
0x15: {  	[smem:$0x3FAE] =	sst s0;
	s0 =	simm.s32 @!p2 $0x0  }
0x16: {  	s3 =	sld [smem:$0x3FDB];
	s0 =	simm.s32 @p2 $0x1  }
0x17: {  	s4 =	simm.s32 $0x1BF5;
	[smem:$0x3FB0] =	sst s0  }
0x18: {  	s0 =	sld [smem:$0x3F93];
	_ =	swait.ge [sflag:s4], $0x0  }
0x19: {  	s7 =	sld [smem:$0x3F94]  }
0x1a: {  	s8 =	sadd.s32 $0xFFFFE003, lr  }
0x1b: {  	s9 =	sadd.s32 $0xFFFFFEF7, lr;
	s5 =	simm.s32 $0xFFFFFFFF;
	p2 =	slt.u32 s8, $0xFFFFF086  }
0x1c: {  	p1 =	slt.u32 s9, $0xF7A;
	s5 =	simm.s32 @!p2 $0x0  }
0x1d: {  	s5 =	simm.s32 @p1 $0x1;
	p0 =	seq.s32 s7, s2  }
0x1e: {  	s7 =	smul.u32 @!p0 $0xF7A, s2;
	p2 =	seq.s32 @!p0 s5, $0x0  }
0x1f: {  	s9 =	smul.u32 $0xF7A, s1;
	s8 =	simm.s32 @!p0 $0x1BF5;
	p2 =	por !p2, p0  }
0x20: {  	[sflag:s8] =	ssyncset.s32 @!p0 $0xFFFFF086;
	s6 =	sadd.s32 @!p0 s3, s7;
	s7 =	simm.s32 @!p0 $0x108  }
0x21: {  	s3 =	sadd.s32 s3, s9;
	s6 =	sadd.s32 @!p0 $0x88, s6;
	s7 =	simm.s32 @p2 $0x1082  }
0x22: {  	[simem:s7], [sflag:s8] =	dma.local @!p0 [hbm:s6], $0xF7A  }
0x23: {  	s9 =	sor.u32 $0xD0000000, s2;
	s6 =	simm.s32 $0x108;
	_ =	swait.ge @!p0 [sflag:s8], $0x0  }
0x24: {  	s3 =	sadd.s32 $0x88, s3;
	s6 =	simm.s32 @!p1 $0x1082;
	[sflag:s4] =	ssyncset.s32 $0xFFFFF086  }
0x25: {  	[simem:s6], [sflag:s4] =	dma.local [hbm:s3], $0xF7A  }
0x26: {  	[smem:$0x3F94] =	sst s1;
	(tag) =	ssettag s2;
	_ =	strace s9  }
0x27: {  	s1 =	sld [smem:$0x3FA4]  }
0x28: {  	s2 =	sld [smem:$0x3FA5]  }
0x29: {  	s4 =	sld [smem:$0x3FA7]  }
0x2a: {  	p0 =	seq.s32 s5, $0x0;
	s5 =	sld [smem:$0x3FA8]  }
0x2b: {  	s6 =	sld [smem:$0x3FA9]  }
0x2c: {  	s7 =	sld [smem:$0x3FAA]  }
0x2d: {  	s3 =	simm.s32 $0x108;
	s8 =	sld [smem:$0x3FAB]  }
0x2e: {  	s3 =	simm.s32 @!p0 $0x1082;
	s9 =	sld [smem:$0x3FAC]  }
0x2f: {  	lr =	sadd.s32 s0, s3;
	s0 =	sld [smem:$0x3FA3]  }
0x30: {  	s3 =	sld [smem:$0x3FA6]  }
0x31: {  	[smem:$0x3FAF] =	sst s10  }
0x32: {  	s10 =	sld [smem:$0x3FAD];
	_ =	sdelay $0x3  }
0x33: {  	p0 =	seq.s32 s10, $0x1;
	s10 =	sld [smem:$0x3FAF];
	_ =	sdelay $0x3  }
0x34: {  	[smem:$0x3FAF] =	sst s10  }
0x35: {  	s10 =	sld [smem:$0x3FAE];
	_ =	sdelay $0x3  }
0x36: {  	p1 =	seq.s32 s10, $0x1;
	s10 =	sld [smem:$0x3FAF];
	_ =	sdelay $0x3  }
0x37: {  	[smem:$0x3FAF] =	sst s10  }
0x38: {  	s10 =	sld [smem:$0x3FB0]  }
0x39: {  	_ = 	snop;
	(pc) =	sbr.ind lr, $3  }
0x3a: {  	_ = 	snop  }
0x3b: {  	_ = 	snop  }
0x3c: {  	p2 =	seq.s32 s10, $0x1;
	s10 =	sld [smem:$0x3FAF]  }
0x3d: {  	_ =	shalt  }
0x3e: {  	_ =	shalt  }
0x3f: {  	_ =	shalt  }
0x40: {  	_ =	shalt  }
0x41: {  	_ =	shalt  }
0x42: {  	_ =	shalt  }
0x43: {  	_ =	shalt  }
0x44: {  	_ =	shalt  }
0x45: {  	_ =	shalt  }
0x46: {  	_ =	shalt  }
0x47: {  	_ =	shalt  }
0x48: {  	_ =	shalt  }
0x49: {  	_ =	shalt  }
0x4a: {  	_ =	shalt  }
0x4b: {  	_ =	shalt  }
0x4c: {  	_ =	shalt  }
0x4d: {  	_ =	shalt  }
0x4e: {  	_ =	shalt  }
0x4f: {  	_ =	shalt  }
0x50: {  	_ =	shalt  }
0x51: {  	_ =	shalt  }
0x52: {  	_ =	shalt  }
0x53: {  	_ =	shalt  }
0x54: {  	_ =	shalt  }
0x55: {  	_ =	shalt  }
0x56: {  	_ =	shalt  }
0x57: {  	_ =	shalt  }
0x58: {  	_ =	shalt  }
0x59: {  	_ =	shalt  }
0x5a: {  	_ =	shalt  }
0x5b: {  	_ =	shalt  }
0x5c: {  	_ =	shalt  }
0x5d: {  	_ =	shalt  }
0x5e: {  	_ =	shalt  }
0x5f: {  	_ =	shalt  }
0x60: {  	_ =	shalt  }
0x61: {  	_ =	shalt  }
0x62: {  	_ =	shalt  }
0x63: {  	_ =	shalt  }
0x64: {  	_ =	shalt  }
0x65: {  	_ =	shalt  }
0x66: {  	_ =	shalt  }
0x67: {  	_ =	shalt  }
0x68: {  	_ =	shalt  }
0x69: {  	_ =	shalt  }
0x6a: {  	_ =	shalt  }
0x6b: {  	_ =	shalt  }
0x6c: {  	_ =	shalt  }
0x6d: {  	_ =	shalt  }
0x6e: {  	_ =	shalt  }
0x6f: {  	_ =	shalt  }
0x70: {  	_ =	shalt  }
0x71: {  	_ =	shalt  }
0x72: {  	_ =	shalt  }
0x73: {  	_ =	shalt  }
0x74: {  	_ =	shalt  }
0x75: {  	_ =	shalt  }
0x76: {  	_ =	shalt  }
0x77: {  	_ =	shalt  }
0x78: {  	_ =	shalt  }
0x79: {  	_ =	shalt  }
0x7a: {  	_ =	shalt  }
0x7b: {  	_ =	shalt  }
0x7c: {  	_ =	shalt  }
0x7d: {  	_ =	shalt  }
0x7e: {  	_ =	shalt  }
0x7f: {  	_ =	shalt  }
0x80: {  	_ =	shalt  }
0x81: {  	_ =	shalt  }
0x82: {  	_ =	shalt  }
0x83: {  	_ =	shalt  }
0x84: {  	_ =	shalt  }
0x85: {  	_ =	shalt  }
0x86: {  	_ =	shalt  }
0x87: {  	_ =	shalt  }
.Lfunc_end0:
.L_simem_size_0:
called_computation_lowered:
.L_overlay_start_0:
0x88: {  	s2 =	sld [smem:$0x3FD9]  }
0x89: {  	s3 =	sld [smem:$0x3FFE];
	_ =	sdelay $0x1  }
0x8a: {  	s1 =	srdreg.scid  }
0x8b: {  	s0 =	sand.u32 $0x1, s1  }
0x8c: {  	s14 =	sshll.u32 s0, $0xA;
	s2 =	sadd.s32 s3, s2  }
0x8d: {  	s2 =	sadd.s32 s2, s14  }
0x8e: {  	[smem:$0x3FBB] =	sst s2  }
0x8f: {  	_ = 	snop  }
0x90: {  	s2 =	sld [smem:$0x3FD0];
	_ =	sdelay $0x2  }
0x91: {  	s15 =	simm.s32 $0xA;
	s4 =	simm.s32 $0x10  }
0x92: {  	[smem:s4], [sflag:s15] =	dma.local [hbm:s2], $0x1  }
0x93: {  	_ =	swait.eq [sflag:s15], $0x1  }
0x94: {  	[sflag:s15] =	ssyncset.done $0x0  }
0x95: {  	s16 =	sld [smem:$0x10];
	[sflag:s15] =	ssyncadd.s32 $0xFFFFFFFF  }
0x96: {  	s17 =	sld [smem:$0x11];
	(tm) =	ssettm $0x1  }
0x97: {  	s18 =	sld [smem:$0x3FFB];
	_ =	sdelay $0x3  }
0x98: {  	_ =	strace s18  }
0x99: {  	s4 =	sld [smem:$0x3FFC];
	_ =	sdelay $0x3  }
0x9a: {  	_ =	strace s4  }
0x9b: {  	s4 =	sld [smem:$0x3FFD];
	_ =	sdelay $0x3  }
0x9c: {  	_ =	strace s4  }
0x9d: {  	_ =	strace $0x8FFFFFFF  }
0x9e: {  	s19 =	sld [smem:$0x3FDB];
	_ =	sdelay $0x1  }
0x9f: {  	s5 =	simm.s32 $_scs_section_size  }
0xa0: {  	s6 =	simm.s32 $_size__tile_overlayer_lowered;
	s7 =	simm.s32 $_tile_overlayer_lowered  }
0xa1: {  	s22 =	simm.s32 $0x1BFF;
	s21 =	sshll.u32 s7, $0x1;
	s4 =	sadd.s32 s5, s19  }
0xa2: {  	s8 =	simm.s32 $0x0;
	s20 =	sshll.u32 s6, $0x1;
	s6 =	sadd.s32 s21, s4  }
0xa3: {  	[timem:s8], [sflag:s22] =	dma.local [hbm:s6], s20  }
0xa4: {  	_ =	swait.ge [sflag:s22], s20  }
0xa5: {  	s5 =	ssub.s32 $0x0, s20;
	[sflag:s22] =	ssyncset.done $0x0  }
0xa6: {  	[sflag:s22] =	ssyncadd.s32 s5;
	_ =	sdelay $0x1  }
0xa7: {  	s23 =	simm.s32 $0x1B8B  }
0xa8: {  	_ =	swait.ge [sflag:s23], $0x1  }
0xa9: {  	[sflag:s23] =	ssyncset.done $0x0  }
0xaa: {  	s25 =	simm.s32 $0x1B8E;
	s24 =	sld [smem:$0x3FFE];
	[sflag:s23] =	ssyncadd.s32 $0xFFFFFFFF  }
0xab: {  	s26 =	simm.s32 $execute0_lowered;
	[smem:$0x3FD2] =	sst s25  }
0xac: {  	s6 =	sshll.u32 s26, $0x1;
	_ =	strace $0x80000046;
	[dreg:$0x1] =	wrdreg $0xFFFFFFFF  }
0xad: {  	s28 =	simm.s32 $_size_execute0_lowered;
	s4 =	sadd.s32 s4, s6;
	[dreg:$0x0] =	wrdreg $0x0  }
0xae: {  	s6 =	sshll.u32 s28, $0x1;
	[dreg:$0x2] =	wrdreg s4  }
0xaf: {  	[dreg:$0x3] =	wrdreg s6  }
0xb0: {  	[dreg:$0x4] =	wrdreg $0xC0  }
0xb1: {  	_ =	task [dreg:s8], $0x5FFFF  }
0xb2: {  	[dreg:$0x1] =	wrdreg $0xFFFFFFFF  }
0xb3: {  	[dreg:$0x0] =	wrdreg $0x60  }
0xb4: {  	[dreg:$0x2] =	wrdreg s24  }
0xb5: {  	[dreg:$0x3] =	wrdreg s16  }
0xb6: {  	[dreg:$0x4] =	wrdreg s17  }
0xb7: {  	[dreg:$0x5] =	wrdreg $0x9  }
0xb8: {  	_ =	task.clear_ibuf [dreg:s8], $0x6FFFF;
	_ =	strace $0x90000046  }
0xb9: {  	s29 =	simm.s32 $0x9;
	_ =	strace $0x80000048  }
0xba: {  	_ =	swait.ge [sflag:s29], $0x1  }
0xbb: {  	[sflag:s29] =	ssyncadd.s32 $0xFFFFFFFF  }
0xbc: {  	_ =	strace $0x90000048  }
0xbd: {  	_ =	sfence  }
0xbe: {  	s30 =	sld [smem:$0x0];
	_ =	sdelay $0x2  }
0xbf: {  	s31 =	sshll.u32 s1, $0xD;
	s1 =	sshrl.u32 s1, $0x2  }
0xc0: {  	s3 =	sand.u32 $0x4000, s31;
	s1 =	sadd.s32 s1, s30  }
0xc1: {  	s0 =	sor.u32 s3, s0;
	s1 =	sshll.u32 s1, $0x11  }
0xc2: {  	s0 =	sor.u32 s1, s0  }
0xc3: {  	s0 =	sadd.s32 $0x8F2B, s0  }
0xc4: {  	[sflag:s0] =	ssyncadd.remote.s32 $0x1  }
0xc5: {  	_ =	sfence.sel $0xFFFF  }
0xc6: {  	[dreg:$0x0] =	wrdreg $0xFFFFFFFF;
	(pc) =	sbr.abs _section_cstart, $3  }
0xc7: {  	[dreg:$0x1] =	wrdreg $0xFFFFFFFF  }
0xc8: {  	_ =	task.clear_ibuf [dreg:s8], $0x2FFFF;
	_ =	strace $0x9FFFFFFF  }
0xc9: {  	(tm) =	ssettm $0x7FFFFFFF  }
tec
execute0_lowered:
.L_overlay_start_1:
0x0: {  	(tag) =	ssettag $0x1  }
0x1: {  	s0 =	rddreg [dreg:$0x0]  }
0x2: {  	s2 =	rddreg [dreg:$0x1];
	s1 =	srdreg.scid  }
0x3: {  	s3 =	stileid.u32;
	s7 =	rddreg [dreg:$0x2];
	s14 =	simm.s32 $0x4  }
0x4: {  	s17 =	simm.s32 $0xF00;
	s18 =	simm.s32 $0x1400;
	s19 =	simm.s32 $0x1900  }
0x5: {  	s20 =	simm.s32 $0x50;
	s21 =	simm.s32 $0x1E00;
	s22 =	simm.s32 $0x4600  }
0x6: {  	s28 =	simm.s32 $0x2;
	s29 =	simm.s32 $0x3;
	s30 =	simm.s32 $0xBE00  }
0x7: {  	s31 =	simm.s32 $0x0;
	s1 =	sand.u32 $0x1, s1;
	s4 =	sshll.u32 s3, $0x1  }
0x8: {  	s3 =	simm.s32 $0x0;
	s4 =	sor.u32 s1, s4;
	s1 =	ssub.s32 $0x2, s1  }
0x9: {  	s5 =	sadd.s32 $0x8000, s0;
	s4 =	smul.u32 $0x500, s4;
	s9 =	sshrl.u32 s1, $0x1  }
0xa: {  	s6 =	sadd.s32 $0x2F200, s0;
	[smem:$0x7FF] =	sst s3;
	s23 =	ssub.s32 s1, s9  }
0xb: {  	_ =	strace $0x80000047;
	s8 =	sshrl.u32 s4, $0x3;
	s13 =	smax.u32 s23, $0x1  }
.Ltmp0:
0xc: {  	s12 =	sadd.s32 s8, s0;
	s24 =	sadd.s32 s7, s8;
	(pc) =	sbr.rel .LBB2_1-.Ltmp0, $4  }
0xd: {  	s23 =	simm.s32 $0x6E00;
	[dreg:$0x4] =	wrdreg s24;
	s25 =	sadd.s32 $0x1C00, s12  }
0xe: {  	s26 =	sadd.s32 $0x3000, s12;
	s10 =	sadd.s32 $0x4400, s12;
	s11 =	sadd.s32 $0x5800, s12  }
0xf: {  	s12 =	sadd.s32 $0x6C00, s12;
	s24 =	simm.s32 $0x9600;
	[dreg:$0x5] =	wrdreg s25  }
0x10: {  	[dreg:$0x6] =	wrdreg s26;
	s25 =	simm.s32 $0x5;
	s26 =	simm.s32 $0x1  }
.LBB2_7:
0x11: {  	s31 =	sadd.s32 $0x1, s31  }
0x12: {  	p0 =	sne.s32 s31, s13  }
.Ltmp1:
0x13: {  	_ = 	snop;
	(pc) =	sbr.rel @!p0 .LBB2_8-.Ltmp1, $1  }
0x14: {  	_ =	sdelay $0x3  }
.LBB2_1:
0x15: {  	s0 =	rddreg [dreg:$0x4]  }
0x16: {  	[tilespmem:s3], [sflag:$0x4] =	stream.linear.gather [hbm4b:s0+s3], $0x500, $0x38;
	[tilespmem:$0xE600] =	vst v63  }
0x17: {  	_ =	swait.ge [sflag:s14], $0x500  }
0x18: {  	[sflag:s14] =	ssyncset.done $0x0  }
0x19: {  	s1 =	simm.s32 $0x500;
	s9 =	rddreg [dreg:$0x5];
	[sflag:s14] =	ssyncadd.s32 $0xFFFFFB00  }
0x1a: {  	[tilespmem:s1], [sflag:$0x4] =	stream.linear.gather [hbm4b:s9+s3], $0x500, $0x38;
	[tilespmem:$0xE600] =	vst v63  }
0x1b: {  	_ =	swait.ge [sflag:s14], $0x500  }
0x1c: {  	[sflag:s14] =	ssyncset.done $0x0  }
0x1d: {  	s16 =	simm.s32 $0xA00;
	s15 =	rddreg [dreg:$0x6];
	[sflag:s14] =	ssyncadd.s32 $0xFFFFFB00  }
0x1e: {  	[tilespmem:s16], [sflag:$0x4] =	stream.linear.gather [hbm4b:s15+s3], $0x500, $0x38;
	[tilespmem:$0xE600] =	vst v63  }
0x1f: {  	_ =	swait.ge [sflag:s14], $0x500  }
0x20: {  	[sflag:s14] =	ssyncset.done $0x0  }
0x21: {  	[sflag:s14] =	ssyncadd.s32 $0xFFFFFB00  }
0x22: {  	[tilespmem:s17], [sflag:$0x4] =	stream.linear.gather [hbm4b:s10+s3], $0x500, $0x38;
	[tilespmem:$0xE600] =	vst v63  }
0x23: {  	_ =	swait.ge [sflag:s14], $0x500  }
0x24: {  	[sflag:s14] =	ssyncset.done $0x0  }
0x25: {  	[sflag:s14] =	ssyncadd.s32 $0xFFFFFB00  }
0x26: {  	[tilespmem:s18], [sflag:$0x4] =	stream.linear.gather [hbm4b:s11+s3], $0x500, $0x38;
	[tilespmem:$0xE600] =	vst v63  }
0x27: {  	_ =	swait.ge [sflag:s14], $0x500  }
0x28: {  	[sflag:s14] =	ssyncset.done $0x0  }
.Ltmp2:
0x29: {  	[sflag:s14] =	ssyncadd.s32 $0xFFFFFB00;
	(pc) =	sbr.rel .LBB2_2-.Ltmp2, $4  }
0x2a: {  	[tilespmem:s19], [sflag:$0x4] =	stream.linear.gather [hbm4b:s12+s3], $0x500, $0x38;
	[tilespmem:$0xE600] =	vst v63  }
0x2b: {  	_ =	swait.ge [sflag:s14], $0x500  }
0x2c: {  	[sflag:s14] =	ssyncset.done $0x0  }
0x2d: {  	s8 =	simm.s32 $0x0;
	s0 =	simm.s32 $0x0;
	[sflag:s14] =	ssyncadd.s32 $0xFFFFFB00  }
.LBB2_6:
0x2e: {  	s0 =	sadd.s32 $0x1, s0  }
0x2f: {  	p0 =	sne.s32 s0, $0x10  }
.Ltmp3:
0x30: {  	_ = 	snop;
	(pc) =	sbr.rel @!p0 .LBB2_7-.Ltmp3, $2  }
0x31: {  	_ =	sdelay $0x2  }
0x32: {  	s8 =	sadd.s32 $0x50, s8  }
.LBB2_2:
0x33: {  	s7 =	smul.u32 $0x50, s0;
	_ =	sdelay $0x1  }
0x34: {  	s1 =	sadd.s32 s4, s7  }
0x35: {  	p0 =	sgt.u32 s1, $0x9C3F  }
.Ltmp4:
0x36: {  	_ = 	snop;
	(pc) =	sbr.rel @p0 .LBB2_6-.Ltmp4, $1  }
0x37: {  	_ =	sdelay $0x3  }
0x38: {  	[tilespmem:s21], [sflag:$0x1] =	stream.indirect.gather [hbm4b:s5+s20], $0x80, s7, s20, $0xb8;
	[tilespmem:$0xE600] =	vst v63  }
0x39: {  	s15 =	sadd.s32 $0x500, s7  }
0x3a: {  	[tilespmem:s22], [sflag:$0x2] =	stream.indirect.gather [hbm4b:s5+s20], $0x80, s15, s20, $0xb8;
	[tilespmem:$0xE600] =	vst v63  }
0x3b: {  	s15 =	sadd.s32 $0xA00, s7  }
0x3c: {  	[tilespmem:s23], [sflag:$0x3] =	stream.indirect.gather [hbm4b:s5+s20], $0x80, s15, s20, $0xb8;
	[tilespmem:$0xE600] =	vst v63  }
0x3d: {  	s15 =	sshll.u32 s1, $0x4  }
0x3e: {  	s16 =	simm.s32 $0x0;
	s1 =	sadd.s32 s2, s15  }
0x3f: {  	[tilespmem:s24], [sflag:$0x5] =	stream.linear.gather [hbm4b:s1+s16], $0x2800, $0x38;
	[tilespmem:$0xE600] =	vst v63  }
0x40: {  	_ =	swait.ge [sflag:s25], $0x2800  }
0x41: {  	[sflag:s25] =	ssyncset.done $0x0  }
0x42: {  	[sflag:s25] =	ssyncadd.s32 $0xFFFFD800  }
0x43: {  	_ =	swait.ge [sflag:s26], $0x2800  }
0x44: {  	[sflag:s26] =	ssyncset.done $0x0  }
0x45: {  	[sflag:s26] =	ssyncadd.s32 $0xFFFFD800  }
0x46: {  	_ =	swait.ge [sflag:s28], $0x2800  }
0x47: {  	[sflag:s28] =	ssyncset.done $0x0  }
0x48: {  	[sflag:s28] =	ssyncadd.s32 $0xFFFFD800  }
0x49: {  	_ =	swait.ge [sflag:s29], $0x2800  }
0x4a: {  	[sflag:s29] =	ssyncset.done $0x0  }
0x4b: {  	s16 =	simm.s32 $0x0;
	[sflag:s29] =	ssyncadd.s32 $0xFFFFD800  }
0x4c: {  	v0 =	vld [tilespmem:s16+$0x6E00]  }
0x4d: {  	v1 =	vld [tilespmem:s16+$0x6E10]  }
0x4e: {  	v2 =	vld [tilespmem:s16+$0x6E20]  }
0x4f: {  	v4 =	vld [tilespmem:s16+$0x6E30]  }
0x50: {  	v6 =	vld [tilespmem:s16+$0x6E40]  }
0x51: {  	v8 =	vld [tilespmem:s16+$0x6E50]  }
0x52: {  	v7 =	vld [tilespmem:s16+$0x6E60]  }
0x53: {  	v9 =	vld [tilespmem:s16+$0x6E70]  }
0x54: {  	v3 =	vld [tilespmem:s16+$0x9610]  }
0x55: {  	v5 =	vld [tilespmem:s16+$0x9620]  }
0x56: {  	v12 =	vld [tilespmem:s16+$0x9650]  }
0x57: {  	v10 =	vld [tilespmem:s16+$0x4650]  }
0x58: {  	v11 =	vld [tilespmem:s16+$0x9660]  }
0x59: {  	v14 =	vmov s8;
	s7 =	simm.s32 $0x200;
	s1 =	smov.u32 s8;
	v13 =	vld [tilespmem:s16+$0x4660]  }
.LBB2_4:
0x5a: {  	p0 =	sne.s32 s7, $0x9E00;
	v15 =	vld [tilespmem:s16+$0x9670]  }
0x5b: {  	v16 =	vld [tilespmem:s16+$0x1E40]  }
0x5c: {  	v17 =	vld [tilespmem:s16+$0x1E50]  }
0x5d: {  	v18 =	vld [tilespmem:s16+$0x1E60]  }
0x5e: {  	v19 =	vld.idx.msk [tilespmem:v14+s17+$0x0], $0xffff  }
0x5f: {  	v20 =	vld [tilespmem:s16+$0x1E70]  }
0x60: {  	v21 =	vld.idx.msk [tilespmem:v14+s18+$0x0], $0xffff  }
0x61: {  	v22 =	vld [tilespmem:s16+$0x4670]  }
0x62: {  	v14 =	vld.idx.msk [tilespmem:v14+s19+$0x0], $0xffff  }
0x63: {  	v23 =	vld [tilespmem:s16+$0x4620]  }
0x64: {  	v17 =	vmul.f32 v17, v19;
	v24 =	vld [tilespmem:s16+$0x9640];
	v20 =	vmul.f32 v20, v19  }
0x65: {  	v16 =	vmul.f32 v16, v19;
	v18 =	vmul.f32 v18, v19;
	v25 =	vld [tilespmem:s16+$0x4640]  }
0x66: {  	v12 =	vadd.f32 v17, v12;
	v26 =	vld [tilespmem:s16+$0x4630];
	v15 =	vadd.f32 v20, v15;
	v17 =	vmul.f32 v22, v21  }
0x67: {  	v10 =	vmul.f32 v10, v21;
	v11 =	vadd.f32 v18, v11;
	v13 =	vmul.f32 v13, v21;
	v20 =	vld [tilespmem:s16+$0x1E30]  }
0x68: {  	v8 =	vmul.f32 v8, v14;
	v9 =	vmul.f32 v9, v14;
	v18 =	vld [tilespmem:s16+$0x1E20];
	v15 =	vadd.f32 v17, v15  }
0x69: {  	v10 =	vadd.f32 v10, v12;
	v11 =	vadd.f32 v13, v11;
	v7 =	vmul.f32 v7, v14;
	v17 =	vld [tilespmem:s16+$0x9630]  }
0x6a: {  	v13 =	vadd.f32 v16, v24;
	v12 =	vld [tilespmem:s16+$0x1E10];
	v16 =	vmul.f32 v25, v21;
	v9 =	vadd.f32 v9, v15  }
0x6b: {  	v6 =	vmul.f32 v6, v14;
	v8 =	vadd.f32 v8, v10;
	v7 =	vadd.f32 v7, v11;
	v15 =	vld [tilespmem:s16+$0x4610]  }
0x6c: {  	v10 =	vld [tilespmem:s16+$0x1E00];
	v11 =	vmul.f32 v20, v19;
	v20 =	vmul.f32 v26, v21;
	v13 =	vadd.f32 v16, v13;
	[tilespmem:s16+$0xBE70] =	vst v9  }
0x6d: {  	s9 =	sshra.s32 s7, $0x2;
	v9 =	vld [tilespmem:s16+$0x4600];
	v16 =	vmul.f32 v18, v19;
	v18 =	vmul.f32 v4, v14;
	[tilespmem:s16+$0xBE50] =	vst v8  }
0x6e: {  	v4 =	vmul.f32 v23, v21;
	v8 =	vld [tilespmem:s9+$0x6E00];
	v11 =	vadd.f32 v11, v17;
	v6 =	vadd.f32 v6, v13;
	[tilespmem:s16+$0xBE60] =	vst v7  }
0x6f: {  	v13 =	vmul.f32 v2, v14;
	v7 =	vld [tilespmem:s16+$0x9600];
	v12 =	vmul.f32 v12, v19;
	v5 =	vadd.f32 v16, v5  }
0x70: {  	v16 =	vmul.f32 v1, v14;
	v15 =	vmul.f32 v15, v21;
	v1 =	vld [tilespmem:s9+$0x6E10];
	v11 =	vadd.f32 v20, v11;
	[tilespmem:s16+$0xBE40] =	vst v6  }
0x71: {  	v2 =	vld [tilespmem:s9+$0x6E20];
	v10 =	vmul.f32 v10, v19;
	v3 =	vadd.f32 v12, v3;
	v5 =	vadd.f32 v4, v5  }
0x72: {  	v14 =	vmul.f32 v0, v14;
	v4 =	vld [tilespmem:s9+$0x6E30];
	v12 =	vmul.f32 v9, v21;
	v9 =	vadd.f32 v18, v11  }
0x73: {  	v6 =	vld [tilespmem:s9+$0x6E40];
	v3 =	vadd.f32 v15, v3;
	v5 =	vadd.f32 v13, v5;
	v0 =	vmov v8  }
0x74: {  	v8 =	vld [tilespmem:s9+$0x6E50];
	v10 =	vadd.f32 v10, v7;
	[tilespmem:s16+$0xBE30] =	vst v9  }
0x75: {  	v7 =	vld [tilespmem:s9+$0x6E60];
	v11 =	vadd.f32 v16, v3;
	[tilespmem:s16+$0xBE20] =	vst v5  }
0x76: {  	v9 =	vld [tilespmem:s9+$0x6E70];
	v10 =	vadd.f32 v12, v10  }
0x77: {  	v3 =	vld [tilespmem:s9+$0x9610];
	[tilespmem:s16+$0xBE10] =	vst v11  }
.Ltmp5:
0x78: {  	v5 =	vld [tilespmem:s9+$0x9620];
	v11 =	vadd.f32 v14, v10;
	(pc) =	sbr.rel @p0 .LBB2_4-.Ltmp5, $4  }
0x79: {  	v12 =	vld [tilespmem:s9+$0x9650]  }
0x7a: {  	v10 =	vld [tilespmem:s9+$0x4650];
	[tilespmem:s16+$0xBE00] =	vst v11;
	s16 =	smov.u32 s9  }
0x7b: {  	s1 =	sadd.s32 $0x1, s1;
	v11 =	vld [tilespmem:s16+$0x9660]  }
0x7c: {  	s7 =	sadd.s32 $0x200, s7;
	v14 =	vmov s1;
	v13 =	vld [tilespmem:s16+$0x4660]  }
0x7d: {  	v15 =	vld [tilespmem:s16+$0x9670]  }
0x7e: {  	v16 =	vld [tilespmem:s16+$0x1E40]  }
0x7f: {  	v17 =	vld [tilespmem:s16+$0x1E50]  }
0x80: {  	v18 =	vld [tilespmem:s16+$0x1E60]  }
0x81: {  	v19 =	vld.idx.msk [tilespmem:v14+s17+$0x0], $0xffff  }
0x82: {  	v20 =	vld [tilespmem:s16+$0x1E70]  }
0x83: {  	v21 =	vld.idx.msk [tilespmem:v14+s18+$0x0], $0xffff  }
0x84: {  	v22 =	vld [tilespmem:s16+$0x4670]  }
0x85: {  	v42 =	vld.idx.msk [tilespmem:v14+s19+$0x0], $0xffff  }
0x86: {  	v23 =	vld [tilespmem:s16+$0x4620]  }
0x87: {  	v24 =	vld [tilespmem:s16+$0x9640]  }
0x88: {  	v25 =	vld [tilespmem:s16+$0x4640];
	v20 =	vmul.f32 v20, v19  }
0x89: {  	v45 =	vld [tilespmem:s16+$0x1E20];
	v17 =	vmul.f32 v17, v19;
	v43 =	vmul.f32 v22, v21  }
0x8a: {  	v47 =	vld [tilespmem:s16+$0x1E10];
	v18 =	vmul.f32 v18, v19;
	v10 =	vmul.f32 v10, v21  }
0x8b: {  	v49 =	vld [tilespmem:s16+$0x1E00];
	v9 =	vmul.f32 v9, v42;
	v13 =	vmul.f32 v13, v21  }
0x8c: {  	v44 =	vld [tilespmem:s16+$0x1E30];
	v8 =	vmul.f32 v8, v42;
	v7 =	vmul.f32 v7, v42  }
0x8d: {  	v57 =	vld [tilespmem:s16+$0x9600];
	v50 =	vmul.f32 v16, v19;
	v53 =	vmul.f32 v25, v21  }
0x8e: {  	v51 =	vld [tilespmem:s16+$0x4600];
	v6 =	vmul.f32 v6, v42;
	v56 =	vmul.f32 v45, v19  }
0x8f: {  	v59 =	vmul.f32 v47, v19;
	v15 =	vadd.f32 v20, v15;
	v12 =	vadd.f32 v17, v12  }
0x90: {  	v26 =	vld [tilespmem:s16+$0x4630];
	v60 =	vmul.f32 v49, v19;
	v11 =	vadd.f32 v18, v11;
	v52 =	vadd.f32 v50, v24  }
0x91: {  	v48 =	vld [tilespmem:s16+$0x4610];
	v54 =	vmul.f32 v44, v19;
	v5 =	vadd.f32 v56, v5;
	v3 =	vadd.f32 v59, v3  }
0x92: {  	v46 =	vld [tilespmem:s16+$0x9630];
	v58 =	vmul.f32 v23, v21;
	v62 =	vadd.f32 v60, v57;
	v15 =	vadd.f32 v43, v15  }
0x93: {  	v61 =	vmul.f32 v51, v21;
	v10 =	vadd.f32 v10, v12;
	v11 =	vadd.f32 v13, v11  }
0x94: {  	v2 =	vmul.f32 v2, v42;
	v5 =	vadd.f32 v58, v5;
	v9 =	vadd.f32 v9, v15  }
0x95: {  	v0 =	vmul.f32 v0, v42;
	v63 =	vadd.f32 v61, v62;
	v8 =	vadd.f32 v8, v10  }
0x96: {  	v12 =	vmul.f32 v48, v21;
	v7 =	vadd.f32 v7, v11;
	v10 =	vadd.f32 v53, v52;
	[tilespmem:s16+$0xBE70] =	vst v9  }
0x97: {  	v55 =	vmul.f32 v26, v21;
	v2 =	vadd.f32 v2, v5;
	[tilespmem:s16+$0xBE50] =	vst v8;
	v8 =	vadd.f32 v54, v46  }
0x98: {  	v1 =	vmul.f32 v1, v42;
	v3 =	vadd.f32 v12, v3;
	v0 =	vadd.f32 v0, v63;
	[tilespmem:s16+$0xBE60] =	vst v7  }
0x99: {  	v4 =	vmul.f32 v4, v42;
	v6 =	vadd.f32 v6, v10;
	[tilespmem:s16+$0xBE20] =	vst v2;
	v7 =	vadd.f32 v55, v8  }
0x9a: {  	v1 =	vadd.f32 v1, v3;
	[tilespmem:s16+$0xBE00] =	vst v0  }
0x9b: {  	[tilespmem:s16+$0xBE40] =	vst v6;
	v4 =	vadd.f32 v4, v7  }
0x9c: {  	[tilespmem:s16+$0xBE10] =	vst v1  }
.Ltmp6:
0x9d: {  	s1 =	sadd.s32 s6, s15;
	[tilespmem:s16+$0xBE30] =	vst v4;
	(pc) =	sbr.rel .LBB2_6-.Ltmp6, $4  }
0x9e: {  	[hbm4b:s1+s3] =	stream.linear.scatter [tilespmem:s30], [sflag:$0x4], $0x2800, $0x38;
	[tilespmem:$0xE600] =	vst v63  }
0x9f: {  	_ =	swait.ge [sflag:s14], $0x2800  }
0xa0: {  	[sflag:s14] =	ssyncset.done $0x0  }
0xa1: {  	[sflag:s14] =	ssyncadd.s32 $0xFFFFD800  }
.LBB2_8:
0xa2: {  	_ =	sfence.sel $0x180000  }
0xa3: {  	[bflag:$0x0] =	sbarrier.arrive $0xFFFF  }
0xa4: {  	_ =	strace $0x90000047  }
0xa5: {  	s0 =	stileid.u32;
	[bflag:$0x2] =	sbarrier.arrive $0xFFFF  }
0xa6: {  	p0 =	sne.s32 s0, $0x0;
	s0 =	rddreg [dreg:$0x3]  }
0xa7: {  	s0 =	sadd.s32 @!p0 $0x100000, s0  }
0xa8: {  	[sflag:s0] =	ssyncadd.tile.s32 @!p0 $0x1;
	_ =	shalt  }
.Lfunc_end2:
_tile_overlayer_lowered:
.L_overlay_start_2:
0xa9: {  	(tag) =	ssettag $0x2  }
0xaa: {  	s0 =	rddreg [dreg:$0x0];
	s2 =	stileid.u32  }
0xab: {  	s1 =	rddreg [dreg:$0x1];
	p0 =	sne.s32 s2, $0x0  }
0xac: {  	s3 =	rddreg [dreg:$0x2];
	[bflag:$0x3] =	sbarrier.arrive $0xFFFF;
	s2 =	simm.s32 @!p0 $0x1C04  }
0xad: {  	[timem:s3], [sflag:s2] =	dma.local @!p0 [hbm:s0], s1  }
0xae: {  	s0 =	simm.s32 @!p0 $0x4  }
0xaf: {  	_ =	swait.ge @!p0 [sflag:s0], s1  }
0xb0: {  	s1 =	ssub.s32 @!p0 $0x0, s1;
	[sflag:s0] =	ssyncset.done @!p0 $0x0  }
0xb1: {  	[sflag:s0] =	ssyncadd.s32 @!p0 s1  }
0xb2: {  	[bflag:$0x3] =	sbarrier.arrive $0xFFFF  }
0xb3: {  	_ =	shalt  }

</sc_bundles>
